<compile_context>
chip_gen: v7x
topology: tpu7x:2x2x1
jax: 0.10.2.dev20260603
libtpu: 0.0.44.dev20260713+nightly
codegen_flags: <defaults>
</compile_context>

<pallas_src>
import functools

import jax
import jax.numpy as jnp
from jax import lax
from jax.experimental import pallas as pl
from jax.experimental.pallas import tpu as pltpu
from jax.experimental.pallas import tpu_sc as plsc

NUM_CODES = 128
LANES = 16
NBUF = 2
UNROLL = 8
ROWS_PER_CHUNK = 32


@functools.lru_cache(maxsize=None)
def _build_sc_kernel(B, H, V, L):
    info = plsc.get_sparse_core_info()
    nc, ns = info.num_cores, info.num_subcores
    nw = nc * ns
    assert B * H == nw and L % LANES == 0
    cr = ROWS_PER_CHUNK
    assert V % (cr * NBUF) == 0 and cr % 8 == 0
    n_chunks = V // cr
    vregs_per_row = L // LANES
    vregs_per_chunk = cr * vregs_per_row
    mesh = plsc.VectorSubcoreMesh(core_axis_name="c", subcore_axis_name="s")

    def body(x_hbm, codes_hbm, out_hbm, codes_v, diff_v, in_v, out_v, *sems):
        in_sems, out_sems = sems[:NBUF], sems[NBUF:]
        wid = lax.axis_index("s") * nc + lax.axis_index("c")
        pltpu.sync_copy(codes_hbm, codes_v)
        for k in range(NUM_CODES // LANES):
            idx = lax.iota(jnp.int32, LANES) + (k * LANES)
            ip1 = jnp.minimum(idx + 1, NUM_CODES - 1)
            c0 = codes_v[pl.ds(k * LANES, LANES)]
            c1 = plsc.load_gather(codes_v, [ip1])
            diff_v[pl.ds(k * LANES, LANES)] = c1 - c0

        def run_plane():
            b = wid // H
            h = wid % H

            def start_in(j, buf):
                pltpu.async_copy(
                    x_hbm.at[b, h, pl.ds(j * cr, cr), :],
                    in_v.at[pl.ds(buf * cr, cr), :], in_sems[buf])

            def wait_in(buf):
                pltpu.make_async_copy(
                    x_hbm.at[b, h, pl.ds(0, cr), :],
                    in_v.at[pl.ds(buf * cr, cr), :], in_sems[buf]).wait()

            def start_out(j, buf):
                pltpu.async_copy(
                    out_v.at[pl.ds(buf * cr, cr), :],
                    out_hbm.at[b, h, pl.ds(j * cr, cr), :], out_sems[buf])

            def wait_out(buf):
                pltpu.make_async_copy(
                    out_v.at[pl.ds(buf * cr, cr), :],
                    out_hbm.at[b, h, pl.ds(0, cr), :], out_sems[buf]).wait()

            for buf in range(NBUF):
                start_in(buf, buf)

            @pl.loop(0, n_chunks, step=NBUF)
            def _(g):
                for buf in range(NBUF):
                    j = g + buf
                    wait_in(buf)

                    @pl.when(j >= NBUF)
                    def _():
                        wait_out(buf)

                    row0 = buf * cr

                    @plsc.parallel_loop(0, vregs_per_chunk, unroll=UNROLL)
                    def _(i):
                        r = row0 + i // vregs_per_row
                        cc = (i % vregs_per_row) * LANES
                        xv = in_v[r, pl.ds(cc, LANES)]
                        xc = jnp.minimum(jnp.maximum(xv, 0.0),
                                         float(NUM_CODES - 1))
                        il = xc.astype(jnp.int32)
                        gl = plsc.load_gather(codes_v, [il])
                        d = plsc.load_gather(diff_v, [il])
                        ilf = il.astype(jnp.float32)
                        out_v[r, pl.ds(cc, LANES)] = gl + d * (xv - ilf)

                    start_out(j, buf)

                    @pl.when(j + NBUF < n_chunks)
                    def _():
                        start_in(j + NBUF, buf)

        run_plane()
        for buf in range(NBUF):
            pltpu.make_async_copy(
                out_v.at[pl.ds(buf * cr, cr), :],
                out_hbm.at[0, 0, pl.ds(0, cr), :], out_sems[buf]).wait()

    return pl.kernel(
        body,
        out_type=jax.ShapeDtypeStruct((B, H, V, L), jnp.float32),
        mesh=mesh,
        scratch_types=[
            pltpu.VMEM((NUM_CODES,), jnp.float32),
            pltpu.VMEM((NUM_CODES,), jnp.float32),
            pltpu.VMEM((NBUF * cr, L), jnp.float32),
            pltpu.VMEM((NBUF * cr, L), jnp.float32),
        ] + [pltpu.SemaphoreType.DMA] * (2 * NBUF),
        compiler_params=pltpu.CompilerParams(
            needs_layout_passes=False, use_tc_tiling_on_sc=True),
    )


def kernel(x, codes):
    B, H, V, L = x.shape
    codes_flat = codes.reshape(NUM_CODES)
    return _build_sc_kernel(B, H, V, L)(x, codes_flat)

# --- scband reference (transcript-rebuilt; emitter-appended) ---
"""Pipeline reference for scband-code-59330678227051 (READ-ONLY COPY).

The authoritative reference and input builder live on the scoring server;
editing this copy changes nothing except your own understanding.
"""

import jax, jax.numpy as jnp
import numpy as np

NUMBERS = 128


def setup_inputs(seed: int = 0) -> dict:
    key = jax.random.key(seed)
    x = jax.random.normal(key, (2, 16, 2048, 512), dtype=jnp.float32)
    # learned parameter: codes = arange(0,1,1/numbers) shaped [1,1,1,numbers]
    codes = jnp.arange(0.0, 1.0, 1.0 / NUMBERS, dtype=jnp.float32).reshape(1, 1, 1, NUMBERS)
    return {"x": x, "codes": codes}


def reference(x, codes):
    # torch: x_ = relu(x.detach()); ind_l = min(x_ // 1, numbers-1); ind_r = min(x_ // 1 + 1, numbers-1)
    x_ = jax.nn.relu(x)
    fl = jnp.floor(x_)
    ind_l = jnp.minimum(fl, float(NUMBERS - 1)).astype(jnp.int32)
    ind_r = jnp.minimum(fl + 1.0, float(NUMBERS - 1)).astype(jnp.int32)
    B, H, V, L = x.shape
    # torch: codes.repeat(B, H, V, 1) then gather along last dim
    codes_b = jnp.broadcast_to(codes, (B, H, V, NUMBERS))
    g_l = jnp.take_along_axis(codes_b, ind_l, axis=-1)
    g_r = jnp.take_along_axis(codes_b, ind_r, axis=-1)
    ind_l_f = ind_l.astype(x.dtype)
    return g_l * (1.0 - x + ind_l_f) + g_r * (x - ind_l_f)

if __name__ == "__main__":
    import jax
    _d = setup_inputs()
    print(jax.jit(kernel)(*tuple(_d.values())))

</pallas_src>

<mosaic_0001>
#map = affine_map<(d0, d1) -> (0, 0, 0, 0)>
#map1 = affine_map<(d0, d1) -> (0)>
module attributes {stable_mosaic.version = 14 : i64} {
  func.func @body(%arg0: i32, %arg1: i32, %arg2: memref<2x16x2048x512xf32, #tpu.memory_space<hbm>>, %arg3: memref<128xf32, #tpu.memory_space<hbm>>, %arg4: memref<2x16x2048x512xf32, #tpu.memory_space<hbm>>, %arg5: memref<128xf32, #tpu.memory_space<vmem>>, %arg6: memref<128xf32, #tpu.memory_space<vmem>>, %arg7: memref<64x512xf32, #tpu.memory_space<vmem>>, %arg8: memref<64x512xf32, #tpu.memory_space<vmem>>, %arg9: memref<!tpu.dma_semaphore, #tpu.memory_space<semaphore_mem>>, %arg10: memref<!tpu.dma_semaphore, #tpu.memory_space<semaphore_mem>>, %arg11: memref<!tpu.dma_semaphore, #tpu.memory_space<semaphore_mem>>, %arg12: memref<!tpu.dma_semaphore, #tpu.memory_space<semaphore_mem>>) attributes {dimension_semantics = [#tpu.dimension_semantics<core_parallel>, #tpu.dimension_semantics<subcore_parallel>], iteration_bounds = array<i64: 2, 16>, scalar_prefetch = 0 : i64, scratch_operands = 8 : i64, tpu.core_type = #tpu.core_type<sc_vector_subcore>, window_params = [{transform_indices = #map}, {transform_indices = #map1}, {transform_indices = #map}]} {
    %mul3A = arith.constant 2 : i32
    %mul3A_0 = arith.muli %arg1, %mul3A : i32
    %add3A = arith.addi %mul3A_0, %arg0 : i32
    "tpu.region"() ({
      %run_scoped3A = tpu.sem_alloc : memref<!tpu.dma_semaphore, #tpu.memory_space<semaphore_mem>>
      tpu.enqueue_dma source(%arg3 : memref<128xf32, #tpu.memory_space<hbm>>) target(%arg5 : memref<128xf32, #tpu.memory_space<vmem>>) target_semaphore(%run_scoped3A : memref<!tpu.dma_semaphore, #tpu.memory_space<semaphore_mem>>)
      tpu.wait_dma2 semaphore(%run_scoped3A : memref<!tpu.dma_semaphore, #tpu.memory_space<semaphore_mem>>) src(%arg3 : memref<128xf32, #tpu.memory_space<hbm>>) dst(%arg5 : memref<128xf32, #tpu.memory_space<vmem>>)
      tpu.yield
    }) : () -> ()
    %iota3A = tpu.iota {dimensions = array<i32: 0>} : vector<16xi32>
    %add3A_1 = arith.constant 0 : i32
    %add3A_2 = vector.broadcast %add3A_1 : i32 to vector<16xi32>
    %add3A_3 = arith.addi %iota3A, %add3A_2 : vector<16xi32>
    %add3A_4 = arith.constant 1 : i32
    %add3A_5 = vector.broadcast %add3A_4 : i32 to vector<16xi32>
    %add3A_6 = arith.addi %add3A_3, %add3A_5 : vector<16xi32>
    %min3A = arith.constant 127 : i32
    %min3A_7 = vector.broadcast %min3A : i32 to vector<16xi32>
    %min3A_8 = arith.minsi %add3A_6, %min3A_7 : vector<16xi32>
    %get3A = arith.constant 0 : index
    %get3A_9 = tpu.vector_load %arg5[%get3A] {strides = array<i32>} : memref<128xf32, #tpu.memory_space<vmem>>, vector<16xf32>,
    %gather3A = tpu.vector_load_idx %arg5[%min3A_8] : memref<128xf32, #tpu.memory_space<vmem>>[vector<16xi32>], vector<16xf32>,
    %sub3A = arith.subf %gather3A, %get3A_9 : vector<16xf32>
    %swap3A = arith.constant 0 : index
    %swap3A_10 = tpu.vector_load %arg6[%swap3A] {strides = array<i32>} : memref<128xf32, #tpu.memory_space<vmem>>, vector<16xf32>,
    tpu.vector_store %arg6[%swap3A], %sub3A {strides = array<i32>} : memref<128xf32, #tpu.memory_space<vmem>>, vector<16xf32>,
    %iota3A_11 = tpu.iota {dimensions = array<i32: 0>} : vector<16xi32>
    %add3A_12 = arith.constant 16 : i32
    %add3A_13 = vector.broadcast %add3A_12 : i32 to vector<16xi32>
    %add3A_14 = arith.addi %iota3A_11, %add3A_13 : vector<16xi32>
    %add3A_15 = arith.constant 1 : i32
    %add3A_16 = vector.broadcast %add3A_15 : i32 to vector<16xi32>
    %add3A_17 = arith.addi %add3A_14, %add3A_16 : vector<16xi32>
    %min3A_18 = arith.constant 127 : i32
    %min3A_19 = vector.broadcast %min3A_18 : i32 to vector<16xi32>
    %min3A_20 = arith.minsi %add3A_17, %min3A_19 : vector<16xi32>
    %get3A_21 = arith.constant 16 : index
    %get3A_22 = tpu.vector_load %arg5[%get3A_21] {strides = array<i32>} : memref<128xf32, #tpu.memory_space<vmem>>, vector<16xf32>,
    %gather3A_23 = tpu.vector_load_idx %arg5[%min3A_20] : memref<128xf32, #tpu.memory_space<vmem>>[vector<16xi32>], vector<16xf32>,
    %sub3A_24 = arith.subf %gather3A_23, %get3A_22 : vector<16xf32>
    %swap3A_25 = arith.constant 16 : index
    %swap3A_26 = tpu.vector_load %arg6[%swap3A_25] {strides = array<i32>} : memref<128xf32, #tpu.memory_space<vmem>>, vector<16xf32>,
    tpu.vector_store %arg6[%swap3A_25], %sub3A_24 {strides = array<i32>} : memref<128xf32, #tpu.memory_space<vmem>>, vector<16xf32>,
    %iota3A_27 = tpu.iota {dimensions = array<i32: 0>} : vector<16xi32>
    %add3A_28 = arith.constant 32 : i32
    %add3A_29 = vector.broadcast %add3A_28 : i32 to vector<16xi32>
    %add3A_30 = arith.addi %iota3A_27, %add3A_29 : vector<16xi32>
    %add3A_31 = arith.constant 1 : i32
    %add3A_32 = vector.broadcast %add3A_31 : i32 to vector<16xi32>
    %add3A_33 = arith.addi %add3A_30, %add3A_32 : vector<16xi32>
    %min3A_34 = arith.constant 127 : i32
    %min3A_35 = vector.broadcast %min3A_34 : i32 to vector<16xi32>
    %min3A_36 = arith.minsi %add3A_33, %min3A_35 : vector<16xi32>
    %get3A_37 = arith.constant 32 : index
    %get3A_38 = tpu.vector_load %arg5[%get3A_37] {strides = array<i32>} : memref<128xf32, #tpu.memory_space<vmem>>, vector<16xf32>,
    %gather3A_39 = tpu.vector_load_idx %arg5[%min3A_36] : memref<128xf32, #tpu.memory_space<vmem>>[vector<16xi32>], vector<16xf32>,
    %sub3A_40 = arith.subf %gather3A_39, %get3A_38 : vector<16xf32>
    %swap3A_41 = arith.constant 32 : index
    %swap3A_42 = tpu.vector_load %arg6[%swap3A_41] {strides = array<i32>} : memref<128xf32, #tpu.memory_space<vmem>>, vector<16xf32>,
    tpu.vector_store %arg6[%swap3A_41], %sub3A_40 {strides = array<i32>} : memref<128xf32, #tpu.memory_space<vmem>>, vector<16xf32>,
    %iota3A_43 = tpu.iota {dimensions = array<i32: 0>} : vector<16xi32>
    %add3A_44 = arith.constant 48 : i32
    %add3A_45 = vector.broadcast %add3A_44 : i32 to vector<16xi32>
    %add3A_46 = arith.addi %iota3A_43, %add3A_45 : vector<16xi32>
    %add3A_47 = arith.constant 1 : i32
    %add3A_48 = vector.broadcast %add3A_47 : i32 to vector<16xi32>
    %add3A_49 = arith.addi %add3A_46, %add3A_48 : vector<16xi32>
    %min3A_50 = arith.constant 127 : i32
    %min3A_51 = vector.broadcast %min3A_50 : i32 to vector<16xi32>
    %min3A_52 = arith.minsi %add3A_49, %min3A_51 : vector<16xi32>
    %get3A_53 = arith.constant 48 : index
    %get3A_54 = tpu.vector_load %arg5[%get3A_53] {strides = array<i32>} : memref<128xf32, #tpu.memory_space<vmem>>, vector<16xf32>,
    %gather3A_55 = tpu.vector_load_idx %arg5[%min3A_52] : memref<128xf32, #tpu.memory_space<vmem>>[vector<16xi32>], vector<16xf32>,
    %sub3A_56 = arith.subf %gather3A_55, %get3A_54 : vector<16xf32>
    %swap3A_57 = arith.constant 48 : index
    %swap3A_58 = tpu.vector_load %arg6[%swap3A_57] {strides = array<i32>} : memref<128xf32, #tpu.memory_space<vmem>>, vector<16xf32>,
    tpu.vector_store %arg6[%swap3A_57], %sub3A_56 {strides = array<i32>} : memref<128xf32, #tpu.memory_space<vmem>>, vector<16xf32>,
    %iota3A_59 = tpu.iota {dimensions = array<i32: 0>} : vector<16xi32>
    %add3A_60 = arith.constant 64 : i32
    %add3A_61 = vector.broadcast %add3A_60 : i32 to vector<16xi32>
    %add3A_62 = arith.addi %iota3A_59, %add3A_61 : vector<16xi32>
    %add3A_63 = arith.constant 1 : i32
    %add3A_64 = vector.broadcast %add3A_63 : i32 to vector<16xi32>
    %add3A_65 = arith.addi %add3A_62, %add3A_64 : vector<16xi32>
    %min3A_66 = arith.constant 127 : i32
    %min3A_67 = vector.broadcast %min3A_66 : i32 to vector<16xi32>
    %min3A_68 = arith.minsi %add3A_65, %min3A_67 : vector<16xi32>
    %get3A_69 = arith.constant 64 : index
    %get3A_70 = tpu.vector_load %arg5[%get3A_69] {strides = array<i32>} : memref<128xf32, #tpu.memory_space<vmem>>, vector<16xf32>,
    %gather3A_71 = tpu.vector_load_idx %arg5[%min3A_68] : memref<128xf32, #tpu.memory_space<vmem>>[vector<16xi32>], vector<16xf32>,
    %sub3A_72 = arith.subf %gather3A_71, %get3A_70 : vector<16xf32>
    %swap3A_73 = arith.constant 64 : index
    %swap3A_74 = tpu.vector_load %arg6[%swap3A_73] {strides = array<i32>} : memref<128xf32, #tpu.memory_space<vmem>>, vector<16xf32>,
    tpu.vector_store %arg6[%swap3A_73], %sub3A_72 {strides = array<i32>} : memref<128xf32, #tpu.memory_space<vmem>>, vector<16xf32>,
    %iota3A_75 = tpu.iota {dimensions = array<i32: 0>} : vector<16xi32>
    %add3A_76 = arith.constant 80 : i32
    %add3A_77 = vector.broadcast %add3A_76 : i32 to vector<16xi32>
    %add3A_78 = arith.addi %iota3A_75, %add3A_77 : vector<16xi32>
    %add3A_79 = arith.constant 1 : i32
    %add3A_80 = vector.broadcast %add3A_79 : i32 to vector<16xi32>
    %add3A_81 = arith.addi %add3A_78, %add3A_80 : vector<16xi32>
    %min3A_82 = arith.constant 127 : i32
    %min3A_83 = vector.broadcast %min3A_82 : i32 to vector<16xi32>
    %min3A_84 = arith.minsi %add3A_81, %min3A_83 : vector<16xi32>
    %get3A_85 = arith.constant 80 : index
    %get3A_86 = tpu.vector_load %arg5[%get3A_85] {strides = array<i32>} : memref<128xf32, #tpu.memory_space<vmem>>, vector<16xf32>,
    %gather3A_87 = tpu.vector_load_idx %arg5[%min3A_84] : memref<128xf32, #tpu.memory_space<vmem>>[vector<16xi32>], vector<16xf32>,
    %sub3A_88 = arith.subf %gather3A_87, %get3A_86 : vector<16xf32>
    %swap3A_89 = arith.constant 80 : index
    %swap3A_90 = tpu.vector_load %arg6[%swap3A_89] {strides = array<i32>} : memref<128xf32, #tpu.memory_space<vmem>>, vector<16xf32>,
    tpu.vector_store %arg6[%swap3A_89], %sub3A_88 {strides = array<i32>} : memref<128xf32, #tpu.memory_space<vmem>>, vector<16xf32>,
    %iota3A_91 = tpu.iota {dimensions = array<i32: 0>} : vector<16xi32>
    %add3A_92 = arith.constant 96 : i32
    %add3A_93 = vector.broadcast %add3A_92 : i32 to vector<16xi32>
    %add3A_94 = arith.addi %iota3A_91, %add3A_93 : vector<16xi32>
    %add3A_95 = arith.constant 1 : i32
    %add3A_96 = vector.broadcast %add3A_95 : i32 to vector<16xi32>
    %add3A_97 = arith.addi %add3A_94, %add3A_96 : vector<16xi32>
    %min3A_98 = arith.constant 127 : i32
    %min3A_99 = vector.broadcast %min3A_98 : i32 to vector<16xi32>
    %min3A_100 = arith.minsi %add3A_97, %min3A_99 : vector<16xi32>
    %get3A_101 = arith.constant 96 : index
    %get3A_102 = tpu.vector_load %arg5[%get3A_101] {strides = array<i32>} : memref<128xf32, #tpu.memory_space<vmem>>, vector<16xf32>,
    %gather3A_103 = tpu.vector_load_idx %arg5[%min3A_100] : memref<128xf32, #tpu.memory_space<vmem>>[vector<16xi32>], vector<16xf32>,
    %sub3A_104 = arith.subf %gather3A_103, %get3A_102 : vector<16xf32>
    %swap3A_105 = arith.constant 96 : index
    %swap3A_106 = tpu.vector_load %arg6[%swap3A_105] {strides = array<i32>} : memref<128xf32, #tpu.memory_space<vmem>>, vector<16xf32>,
    tpu.vector_store %arg6[%swap3A_105], %sub3A_104 {strides = array<i32>} : memref<128xf32, #tpu.memory_space<vmem>>, vector<16xf32>,
    %iota3A_107 = tpu.iota {dimensions = array<i32: 0>} : vector<16xi32>
    %add3A_108 = arith.constant 112 : i32
    %add3A_109 = vector.broadcast %add3A_108 : i32 to vector<16xi32>
    %add3A_110 = arith.addi %iota3A_107, %add3A_109 : vector<16xi32>
    %add3A_111 = arith.constant 1 : i32
    %add3A_112 = vector.broadcast %add3A_111 : i32 to vector<16xi32>
    %add3A_113 = arith.addi %add3A_110, %add3A_112 : vector<16xi32>
    %min3A_114 = arith.constant 127 : i32
    %min3A_115 = vector.broadcast %min3A_114 : i32 to vector<16xi32>
    %min3A_116 = arith.minsi %add3A_113, %min3A_115 : vector<16xi32>
    %get3A_117 = arith.constant 112 : index
    %get3A_118 = tpu.vector_load %arg5[%get3A_117] {strides = array<i32>} : memref<128xf32, #tpu.memory_space<vmem>>, vector<16xf32>,
    %gather3A_119 = tpu.vector_load_idx %arg5[%min3A_116] : memref<128xf32, #tpu.memory_space<vmem>>[vector<16xi32>], vector<16xf32>,
    %sub3A_120 = arith.subf %gather3A_119, %get3A_118 : vector<16xf32>
    %swap3A_121 = arith.constant 112 : index
    %swap3A_122 = tpu.vector_load %arg6[%swap3A_121] {strides = array<i32>} : memref<128xf32, #tpu.memory_space<vmem>>, vector<16xf32>,
    tpu.vector_store %arg6[%swap3A_121], %sub3A_120 {strides = array<i32>} : memref<128xf32, #tpu.memory_space<vmem>>, vector<16xf32>,
    %jit3A = arith.constant 16 : i32
    %div3A = arith.divsi %add3A, %jit3A : i32
    %sign3A = arith.constant 0 : i32
    %sign3A_123 = arith.cmpi sgt, %add3A, %sign3A : i32
    %sign3A_124 = arith.extui %sign3A_123 : i1 to i32
    %sign3A_125 = arith.constant 0 : i32
    %sign3A_126 = arith.cmpi slt, %add3A, %sign3A_125 : i32
    %sign3A_127 = arith.extui %sign3A_126 : i1 to i32
    %sign3A_128 = arith.subi %sign3A_124, %sign3A_127 : i32
    %sign3A_129 = arith.constant 0 : i32
    %sign3A_130 = arith.cmpi sgt, %jit3A, %sign3A_129 : i32
    %sign3A_131 = arith.extui %sign3A_130 : i1 to i32
    %sign3A_132 = arith.constant 0 : i32
    %sign3A_133 = arith.cmpi slt, %jit3A, %sign3A_132 : i32
    %sign3A_134 = arith.extui %sign3A_133 : i1 to i32
    %sign3A_135 = arith.subi %sign3A_131, %sign3A_134 : i32
    %ne3A = arith.cmpi ne, %sign3A_128, %sign3A_135 : i32
    %rem3A = arith.remsi %add3A, %jit3A : i32
    %ne3A_136 = arith.constant 0 : i32
    %ne3A_137 = arith.cmpi ne, %rem3A, %ne3A_136 : i32
    %and3A = arith.andi %ne3A, %ne3A_137 : i1
    %sub3A_138 = arith.constant 1 : i32
    %sub3A_139 = arith.subi %div3A, %sub3A_138 : i32
    %select_n3A = arith.select %and3A, %sub3A_139, %div3A : i32
    %jit3A_140 = arith.constant 16 : i32
    %eq3A = arith.constant 0 : i32
    %eq3A_141 = arith.cmpi eq, %jit3A_140, %eq3A : i32
    %jit3A_142 = arith.constant 1 : i32
    %select_n3A_143 = arith.select %eq3A_141, %jit3A_142, %jit3A_140 : i32
    %rem3A_144 = arith.remsi %add3A, %select_n3A_143 : i32
    %ne3A_145 = arith.constant 0 : i32
    %ne3A_146 = arith.cmpi ne, %rem3A_144, %ne3A_145 : i32
    %lt3A = arith.constant 0 : i32
    %lt3A_147 = arith.cmpi slt, %rem3A_144, %lt3A : i32
    %lt3A_148 = arith.constant 0 : i32
    %lt3A_149 = arith.cmpi slt, %select_n3A_143, %lt3A_148 : i32
    %ne3A_150 = arith.xori %lt3A_147, %lt3A_149 : i1
    %and3A_151 = arith.andi %ne3A_150, %ne3A_146 : i1
    %add3A_152 = arith.addi %rem3A_144, %select_n3A_143 : i32
    %select_n3A_153 = arith.select %and3A_151, %add3A_152, %rem3A_144 : i32
    %dma_start3A = arith.constant 0 : i32
    %dma_start3A_154 = arith.constant 0 : i32
    %dma_start3A_155 = tpu.memref_slice %arg7[%dma_start3A, %dma_start3A_154] : memref<64x512xf32, #tpu.memory_space<vmem>> -> memref<32x512xf32, #tpu.memory_space<vmem>>
    %dma_start3A_156 = arith.constant 0 : i32
    %dma_start3A_157 = arith.constant 0 : i32
    %dma_start3A_158 = tpu.memref_slice %arg2[%select_n3A, %select_n3A_153, %dma_start3A_156, %dma_start3A_157] : memref<2x16x2048x512xf32, #tpu.memory_space<hbm>> -> memref<1x1x32x512xf32, #tpu.memory_space<hbm>>
    %dma_start3A_159 = tpu.memref_squeeze %dma_start3A_158 : memref<1x1x32x512xf32, #tpu.memory_space<hbm>> -> memref<32x512xf32, #tpu.memory_space<hbm>>
    %dma_start3A_160 = arith.constant 0 : i32
    %dma_start3A_161 = arith.constant 0 : i32
    %dma_start3A_162 = tpu.memref_slice %arg7[%dma_start3A_160, %dma_start3A_161] : memref<64x512xf32, #tpu.memory_space<vmem>> -> memref<32x512xf32, #tpu.memory_space<vmem>>
    %dma_start3A_163 = arith.constant 0 : i32
    %dma_start3A_164 = arith.constant 0 : i32
    %dma_start3A_165 = tpu.memref_slice %arg2[%select_n3A, %select_n3A_153, %dma_start3A_163, %dma_start3A_164] : memref<2x16x2048x512xf32, #tpu.memory_space<hbm>> -> memref<1x1x32x512xf32, #tpu.memory_space<hbm>>
    %dma_start3A_166 = tpu.memref_squeeze %dma_start3A_165 : memref<1x1x32x512xf32, #tpu.memory_space<hbm>> -> memref<32x512xf32, #tpu.memory_space<hbm>>
    tpu.enqueue_dma source(%dma_start3A_166 : memref<32x512xf32, #tpu.memory_space<hbm>>) target(%dma_start3A_162 : memref<32x512xf32, #tpu.memory_space<vmem>>) target_semaphore(%arg9 : memref<!tpu.dma_semaphore, #tpu.memory_space<semaphore_mem>>)
    %dma_start3A_167 = arith.constant 32 : i32
    %dma_start3A_168 = arith.constant 0 : i32
    %dma_start3A_169 = tpu.memref_slice %arg7[%dma_start3A_167, %dma_start3A_168] : memref<64x512xf32, #tpu.memory_space<vmem>> -> memref<32x512xf32, #tpu.memory_space<vmem>>
    %dma_start3A_170 = arith.constant 32 : i32
    %dma_start3A_171 = arith.constant 0 : i32
    %dma_start3A_172 = tpu.memref_slice %arg2[%select_n3A, %select_n3A_153, %dma_start3A_170, %dma_start3A_171] : memref<2x16x2048x512xf32, #tpu.memory_space<hbm>> -> memref<1x1x32x512xf32, #tpu.memory_space<hbm>>
    %dma_start3A_173 = tpu.memref_squeeze %dma_start3A_172 : memref<1x1x32x512xf32, #tpu.memory_space<hbm>> -> memref<32x512xf32, #tpu.memory_space<hbm>>
    %dma_start3A_174 = arith.constant 32 : i32
    %dma_start3A_175 = arith.constant 0 : i32
    %dma_start3A_176 = tpu.memref_slice %arg7[%dma_start3A_174, %dma_start3A_175] : memref<64x512xf32, #tpu.memory_space<vmem>> -> memref<32x512xf32, #tpu.memory_space<vmem>>
    %dma_start3A_177 = arith.constant 32 : i32
    %dma_start3A_178 = arith.constant 0 : i32
    %dma_start3A_179 = tpu.memref_slice %arg2[%select_n3A, %select_n3A_153, %dma_start3A_177, %dma_start3A_178] : memref<2x16x2048x512xf32, #tpu.memory_space<hbm>> -> memref<1x1x32x512xf32, #tpu.memory_space<hbm>>
    %dma_start3A_180 = tpu.memref_squeeze %dma_start3A_179 : memref<1x1x32x512xf32, #tpu.memory_space<hbm>> -> memref<32x512xf32, #tpu.memory_space<hbm>>
    tpu.enqueue_dma source(%dma_start3A_180 : memref<32x512xf32, #tpu.memory_space<hbm>>) target(%dma_start3A_176 : memref<32x512xf32, #tpu.memory_space<vmem>>) target_semaphore(%arg10 : memref<!tpu.dma_semaphore, #tpu.memory_space<semaphore_mem>>)
    %scan3A = arith.constant 0 : i32
    %scan3A_181 = arith.constant 32 : i32
    %scan3A_182 = arith.addi %scan3A, %scan3A_181 : i32
    %scan3A_183 = arith.constant 1 : i32
    scf.for %scan3A_216 = %scan3A to %scan3A_182 step %scan3A_183  : i32 {
      %mul3A_217 = arith.constant 2 : i32
      %mul3A_218 = arith.muli %scan3A_216, %mul3A_217 : i32
      %add3A_219 = arith.constant 0 : i32
      %add3A_220 = arith.addi %add3A_219, %mul3A_218 : i32
      %add3A_221 = arith.constant 0 : i32
      %add3A_222 = arith.addi %add3A_220, %add3A_221 : i32
      %dma_wait3A_223 = arith.constant 0 : i32
      %dma_wait3A_224 = arith.constant 0 : i32
      %dma_wait3A_225 = tpu.memref_slice %arg7[%dma_wait3A_223, %dma_wait3A_224] : memref<64x512xf32, #tpu.memory_space<vmem>> -> memref<32x512xf32, #tpu.memory_space<vmem>>
      %dma_wait3A_226 = arith.constant 0 : i32
      %dma_wait3A_227 = arith.constant 0 : i32
      %dma_wait3A_228 = tpu.memref_slice %arg2[%select_n3A, %select_n3A_153, %dma_wait3A_226, %dma_wait3A_227] : memref<2x16x2048x512xf32, #tpu.memory_space<hbm>> -> memref<1x1x32x512xf32, #tpu.memory_space<hbm>>
      %dma_wait3A_229 = tpu.memref_squeeze %dma_wait3A_228 : memref<1x1x32x512xf32, #tpu.memory_space<hbm>> -> memref<32x512xf32, #tpu.memory_space<hbm>>
      %dma_wait3A_230 = arith.constant 0 : i32
      %dma_wait3A_231 = arith.constant 0 : i32
      %dma_wait3A_232 = tpu.memref_slice %arg7[%dma_wait3A_230, %dma_wait3A_231] : memref<64x512xf32, #tpu.memory_space<vmem>> -> memref<32x512xf32, #tpu.memory_space<vmem>>
      %dma_wait3A_233 = arith.constant 0 : i32
      %dma_wait3A_234 = arith.constant 0 : i32
      %dma_wait3A_235 = tpu.memref_slice %arg2[%select_n3A, %select_n3A_153, %dma_wait3A_233, %dma_wait3A_234] : memref<2x16x2048x512xf32, #tpu.memory_space<hbm>> -> memref<1x1x32x512xf32, #tpu.memory_space<hbm>>
      %dma_wait3A_236 = tpu.memref_squeeze %dma_wait3A_235 : memref<1x1x32x512xf32, #tpu.memory_space<hbm>> -> memref<32x512xf32, #tpu.memory_space<hbm>>
      tpu.wait_dma2 semaphore(%arg9 : memref<!tpu.dma_semaphore, #tpu.memory_space<semaphore_mem>>) src(%dma_wait3A_236 : memref<32x512xf32, #tpu.memory_space<hbm>>) dst(%dma_wait3A_232 : memref<32x512xf32, #tpu.memory_space<vmem>>)
      %ge3A = arith.constant 2 : i32
      %ge3A_237 = arith.cmpi sge, %add3A_222, %ge3A : i32
      %convert_element_type3A = arith.extui %ge3A_237 : i1 to i32
      %cond3A = arith.constant 0 : i32
      %cond3A_238 = arith.cmpi ne, %convert_element_type3A, %cond3A : i32
      scf.if %cond3A_238 {
        %dma_wait3A_307 = arith.constant 0 : i32
        %dma_wait3A_308 = arith.constant 0 : i32
        %dma_wait3A_309 = tpu.memref_slice %arg8[%dma_wait3A_307, %dma_wait3A_308] : memref<64x512xf32, #tpu.memory_space<vmem>> -> memref<32x512xf32, #tpu.memory_space<vmem>>
        %dma_wait3A_310 = arith.constant 0 : i32
        %dma_wait3A_311 = arith.constant 0 : i32
        %dma_wait3A_312 = tpu.memref_slice %arg4[%select_n3A, %select_n3A_153, %dma_wait3A_310, %dma_wait3A_311] : memref<2x16x2048x512xf32, #tpu.memory_space<hbm>> -> memref<1x1x32x512xf32, #tpu.memory_space<hbm>>
        %dma_wait3A_313 = tpu.memref_squeeze %dma_wait3A_312 : memref<1x1x32x512xf32, #tpu.memory_space<hbm>> -> memref<32x512xf32, #tpu.memory_space<hbm>>
        %dma_wait3A_314 = arith.constant 0 : i32
        %dma_wait3A_315 = arith.constant 0 : i32
        %dma_wait3A_316 = tpu.memref_slice %arg4[%select_n3A, %select_n3A_153, %dma_wait3A_314, %dma_wait3A_315] : memref<2x16x2048x512xf32, #tpu.memory_space<hbm>> -> memref<1x1x32x512xf32, #tpu.memory_space<hbm>>
        %dma_wait3A_317 = tpu.memref_squeeze %dma_wait3A_316 : memref<1x1x32x512xf32, #tpu.memory_space<hbm>> -> memref<32x512xf32, #tpu.memory_space<hbm>>
        %dma_wait3A_318 = arith.constant 0 : i32
        %dma_wait3A_319 = arith.constant 0 : i32
        %dma_wait3A_320 = tpu.memref_slice %arg8[%dma_wait3A_318, %dma_wait3A_319] : memref<64x512xf32, #tpu.memory_space<vmem>> -> memref<32x512xf32, #tpu.memory_space<vmem>>
        tpu.wait_dma2 semaphore(%arg11 : memref<!tpu.dma_semaphore, #tpu.memory_space<semaphore_mem>>) src(%dma_wait3A_320 : memref<32x512xf32, #tpu.memory_space<vmem>>) dst(%dma_wait3A_317 : memref<32x512xf32, #tpu.memory_space<hbm>>)
      } else {
      }
      %parallel_loop3A = arith.constant 0 : i32
      %parallel_loop3A_239 = arith.constant 1024 : i32
      %parallel_loop3A_240 = arith.constant 1 : i32
      scf.for %parallel_loop3A_307 = %parallel_loop3A to %parallel_loop3A_239 step %parallel_loop3A_240  : i32 {
        %parallel_loop3A_308 = arith.constant 32 : i32
        %parallel_loop3A_309 = arith.divsi %parallel_loop3A_307, %parallel_loop3A_308 : i32
        %parallel_loop3A_310 = arith.constant 0 : i32
        %parallel_loop3A_311 = arith.cmpi sgt, %parallel_loop3A_307, %parallel_loop3A_310 : i32
        %parallel_loop3A_312 = arith.extui %parallel_loop3A_311 : i1 to i32
        %parallel_loop3A_313 = arith.constant 0 : i32
        %parallel_loop3A_314 = arith.cmpi slt, %parallel_loop3A_307, %parallel_loop3A_313 : i32
        %parallel_loop3A_315 = arith.extui %parallel_loop3A_314 : i1 to i32
        %parallel_loop3A_316 = arith.subi %parallel_loop3A_312, %parallel_loop3A_315 : i32
        %parallel_loop3A_317 = arith.constant 0 : i32
        %parallel_loop3A_318 = arith.cmpi sgt, %parallel_loop3A_308, %parallel_loop3A_317 : i32
        %parallel_loop3A_319 = arith.extui %parallel_loop3A_318 : i1 to i32
        %parallel_loop3A_320 = arith.constant 0 : i32
        %parallel_loop3A_321 = arith.cmpi slt, %parallel_loop3A_308, %parallel_loop3A_320 : i32
        %parallel_loop3A_322 = arith.extui %parallel_loop3A_321 : i1 to i32
        %parallel_loop3A_323 = arith.subi %parallel_loop3A_319, %parallel_loop3A_322 : i32
        %parallel_loop3A_324 = arith.cmpi ne, %parallel_loop3A_316, %parallel_loop3A_323 : i32
        %parallel_loop3A_325 = arith.remsi %parallel_loop3A_307, %parallel_loop3A_308 : i32
        %parallel_loop3A_326 = arith.constant 0 : i32
        %parallel_loop3A_327 = arith.cmpi ne, %parallel_loop3A_325, %parallel_loop3A_326 : i32
        %parallel_loop3A_328 = arith.andi %parallel_loop3A_324, %parallel_loop3A_327 : i1
        %parallel_loop3A_329 = arith.constant 1 : i32
        %parallel_loop3A_330 = arith.subi %parallel_loop3A_309, %parallel_loop3A_329 : i32
        %parallel_loop3A_331 = arith.select %parallel_loop3A_328, %parallel_loop3A_330, %parallel_loop3A_309 : i32
        %parallel_loop3A_332 = arith.constant 0 : i32
        %parallel_loop3A_333 = arith.addi %parallel_loop3A_332, %parallel_loop3A_331 : i32
        %parallel_loop3A_334 = arith.constant 32 : i32
        %parallel_loop3A_335 = arith.constant 0 : i32
        %parallel_loop3A_336 = arith.cmpi eq, %parallel_loop3A_334, %parallel_loop3A_335 : i32
        %parallel_loop3A_337 = arith.constant 1 : i32
        %parallel_loop3A_338 = arith.select %parallel_loop3A_336, %parallel_loop3A_337, %parallel_loop3A_334 : i32
        %parallel_loop3A_339 = arith.remsi %parallel_loop3A_307, %parallel_loop3A_338 : i32
        %parallel_loop3A_340 = arith.constant 0 : i32
        %parallel_loop3A_341 = arith.cmpi ne, %parallel_loop3A_339, %parallel_loop3A_340 : i32
        %parallel_loop3A_342 = arith.constant 0 : i32
        %parallel_loop3A_343 = arith.cmpi slt, %parallel_loop3A_339, %parallel_loop3A_342 : i32
        %parallel_loop3A_344 = arith.constant 0 : i32
        %parallel_loop3A_345 = arith.cmpi slt, %parallel_loop3A_338, %parallel_loop3A_344 : i32
        %parallel_loop3A_346 = arith.xori %parallel_loop3A_343, %parallel_loop3A_345 : i1
        %parallel_loop3A_347 = arith.andi %parallel_loop3A_346, %parallel_loop3A_341 : i1
        %parallel_loop3A_348 = arith.addi %parallel_loop3A_339, %parallel_loop3A_338 : i32
        %parallel_loop3A_349 = arith.select %parallel_loop3A_347, %parallel_loop3A_348, %parallel_loop3A_339 : i32
        %parallel_loop3A_350 = arith.constant 16 : i32
        %parallel_loop3A_351 = arith.muli %parallel_loop3A_349, %parallel_loop3A_350 : i32
        %parallel_loop3A_352 = arith.index_cast %parallel_loop3A_333 : i32 to index
        %parallel_loop3A_353 = arith.index_cast %parallel_loop3A_351 : i32 to index
        %parallel_loop3A_354 = tpu.vector_load %arg7[%parallel_loop3A_352, %parallel_loop3A_353] {strides = array<i32>} : memref<64x512xf32, #tpu.memory_space<vmem>>, vector<16xf32>,
        %parallel_loop3A_355 = arith.constant 0.000000e+00 : f32
        %parallel_loop3A_356 = vector.broadcast %parallel_loop3A_355 : f32 to vector<16xf32>
        %parallel_loop3A_357 = arith.maximumf %parallel_loop3A_354, %parallel_loop3A_356 : vector<16xf32>
        %parallel_loop3A_358 = arith.constant 1.270000e+02 : f32
        %parallel_loop3A_359 = vector.broadcast %parallel_loop3A_358 : f32 to vector<16xf32>
        %parallel_loop3A_360 = arith.minimumf %parallel_loop3A_357, %parallel_loop3A_359 : vector<16xf32>
        %parallel_loop3A_361 = arith.fptosi %parallel_loop3A_360 : vector<16xf32> to vector<16xi32>
        %parallel_loop3A_362 = tpu.vector_load_idx %arg5[%parallel_loop3A_361] : memref<128xf32, #tpu.memory_space<vmem>>[vector<16xi32>], vector<16xf32>,
        %parallel_loop3A_363 = tpu.vector_load_idx %arg6[%parallel_loop3A_361] : memref<128xf32, #tpu.memory_space<vmem>>[vector<16xi32>], vector<16xf32>,
        %parallel_loop3A_364 = arith.sitofp %parallel_loop3A_361 : vector<16xi32> to vector<16xf32>
        %parallel_loop3A_365 = arith.subf %parallel_loop3A_354, %parallel_loop3A_364 : vector<16xf32>
        %parallel_loop3A_366 = arith.mulf %parallel_loop3A_363, %parallel_loop3A_365 : vector<16xf32>
        %parallel_loop3A_367 = arith.addf %parallel_loop3A_362, %parallel_loop3A_366 : vector<16xf32>
        %parallel_loop3A_368 = arith.index_cast %parallel_loop3A_333 : i32 to index
        %parallel_loop3A_369 = arith.index_cast %parallel_loop3A_351 : i32 to index
        %parallel_loop3A_370 = tpu.vector_load %arg8[%parallel_loop3A_368, %parallel_loop3A_369] {strides = array<i32>} : memref<64x512xf32, #tpu.memory_space<vmem>>, vector<16xf32>,
        tpu.vector_store %arg8[%parallel_loop3A_368, %parallel_loop3A_369], %parallel_loop3A_367 {strides = array<i32>} : memref<64x512xf32, #tpu.memory_space<vmem>>, vector<16xf32>,
      } {sc.loop_unroll_factor = 8 : i64, sc.parallel_access}
      %mul3A_241 = arith.constant 32 : i32
      %mul3A_242 = arith.muli %add3A_222, %mul3A_241 : i32
      %dma_start3A_243 = arith.constant 0 : i32
      %dma_start3A_244 = arith.constant 0 : i32
      %dma_start3A_245 = tpu.memref_slice %arg8[%dma_start3A_243, %dma_start3A_244] : memref<64x512xf32, #tpu.memory_space<vmem>> -> memref<32x512xf32, #tpu.memory_space<vmem>>
      %dma_start3A_246 = arith.constant 0 : i32
      %dma_start3A_247 = tpu.memref_slice %arg4[%select_n3A, %select_n3A_153, %mul3A_242, %dma_start3A_246] : memref<2x16x2048x512xf32, #tpu.memory_space<hbm>> -> memref<1x1x32x512xf32, #tpu.memory_space<hbm>>
      %dma_start3A_248 = tpu.memref_squeeze %dma_start3A_247 : memref<1x1x32x512xf32, #tpu.memory_space<hbm>> -> memref<32x512xf32, #tpu.memory_space<hbm>>
      %dma_start3A_249 = arith.constant 0 : i32
      %dma_start3A_250 = tpu.memref_slice %arg4[%select_n3A, %select_n3A_153, %mul3A_242, %dma_start3A_249] : memref<2x16x2048x512xf32, #tpu.memory_space<hbm>> -> memref<1x1x32x512xf32, #tpu.memory_space<hbm>>
      %dma_start3A_251 = tpu.memref_squeeze %dma_start3A_250 : memref<1x1x32x512xf32, #tpu.memory_space<hbm>> -> memref<32x512xf32, #tpu.memory_space<hbm>>
      %dma_start3A_252 = arith.constant 0 : i32
      %dma_start3A_253 = arith.constant 0 : i32
      %dma_start3A_254 = tpu.memref_slice %arg8[%dma_start3A_252, %dma_start3A_253] : memref<64x512xf32, #tpu.memory_space<vmem>> -> memref<32x512xf32, #tpu.memory_space<vmem>>
      tpu.enqueue_dma source(%dma_start3A_254 : memref<32x512xf32, #tpu.memory_space<vmem>>) target(%dma_start3A_251 : memref<32x512xf32, #tpu.memory_space<hbm>>) target_semaphore(%arg11 : memref<!tpu.dma_semaphore, #tpu.memory_space<semaphore_mem>>)
      %add3A_255 = arith.constant 2 : i32
      %add3A_256 = arith.addi %add3A_222, %add3A_255 : i32
      %lt3A_257 = arith.constant 64 : i32
      %lt3A_258 = arith.cmpi slt, %add3A_256, %lt3A_257 : i32
      %convert_element_type3A_259 = arith.extui %lt3A_258 : i1 to i32
      %cond3A_260 = arith.constant 0 : i32
      %cond3A_261 = arith.cmpi ne, %convert_element_type3A_259, %cond3A_260 : i32
      scf.if %cond3A_261 {
        %add3A_307 = arith.constant 2 : i32
        %add3A_308 = arith.addi %add3A_222, %add3A_307 : i32
        %mul3A_309 = arith.constant 32 : i32
        %mul3A_310 = arith.muli %add3A_308, %mul3A_309 : i32
        %dma_start3A_311 = arith.constant 0 : i32
        %dma_start3A_312 = arith.constant 0 : i32
        %dma_start3A_313 = tpu.memref_slice %arg7[%dma_start3A_311, %dma_start3A_312] : memref<64x512xf32, #tpu.memory_space<vmem>> -> memref<32x512xf32, #tpu.memory_space<vmem>>
        %dma_start3A_314 = arith.constant 0 : i32
        %dma_start3A_315 = tpu.memref_slice %arg2[%select_n3A, %select_n3A_153, %mul3A_310, %dma_start3A_314] : memref<2x16x2048x512xf32, #tpu.memory_space<hbm>> -> memref<1x1x32x512xf32, #tpu.memory_space<hbm>>
        %dma_start3A_316 = tpu.memref_squeeze %dma_start3A_315 : memref<1x1x32x512xf32, #tpu.memory_space<hbm>> -> memref<32x512xf32, #tpu.memory_space<hbm>>
        %dma_start3A_317 = arith.constant 0 : i32
        %dma_start3A_318 = arith.constant 0 : i32
        %dma_start3A_319 = tpu.memref_slice %arg7[%dma_start3A_317, %dma_start3A_318] : memref<64x512xf32, #tpu.memory_space<vmem>> -> memref<32x512xf32, #tpu.memory_space<vmem>>
        %dma_start3A_320 = arith.constant 0 : i32
        %dma_start3A_321 = tpu.memref_slice %arg2[%select_n3A, %select_n3A_153, %mul3A_310, %dma_start3A_320] : memref<2x16x2048x512xf32, #tpu.memory_space<hbm>> -> memref<1x1x32x512xf32, #tpu.memory_space<hbm>>
        %dma_start3A_322 = tpu.memref_squeeze %dma_start3A_321 : memref<1x1x32x512xf32, #tpu.memory_space<hbm>> -> memref<32x512xf32, #tpu.memory_space<hbm>>
        tpu.enqueue_dma source(%dma_start3A_322 : memref<32x512xf32, #tpu.memory_space<hbm>>) target(%dma_start3A_319 : memref<32x512xf32, #tpu.memory_space<vmem>>) target_semaphore(%arg9 : memref<!tpu.dma_semaphore, #tpu.memory_space<semaphore_mem>>)
      } else {
      }
      %add3A_262 = arith.constant 1 : i32
      %add3A_263 = arith.addi %add3A_220, %add3A_262 : i32
      %dma_wait3A_264 = arith.constant 32 : i32
      %dma_wait3A_265 = arith.constant 0 : i32
      %dma_wait3A_266 = tpu.memref_slice %arg7[%dma_wait3A_264, %dma_wait3A_265] : memref<64x512xf32, #tpu.memory_space<vmem>> -> memref<32x512xf32, #tpu.memory_space<vmem>>
      %dma_wait3A_267 = arith.constant 0 : i32
      %dma_wait3A_268 = arith.constant 0 : i32
      %dma_wait3A_269 = tpu.memref_slice %arg2[%select_n3A, %select_n3A_153, %dma_wait3A_267, %dma_wait3A_268] : memref<2x16x2048x512xf32, #tpu.memory_space<hbm>> -> memref<1x1x32x512xf32, #tpu.memory_space<hbm>>
      %dma_wait3A_270 = tpu.memref_squeeze %dma_wait3A_269 : memref<1x1x32x512xf32, #tpu.memory_space<hbm>> -> memref<32x512xf32, #tpu.memory_space<hbm>>
      %dma_wait3A_271 = arith.constant 32 : i32
      %dma_wait3A_272 = arith.constant 0 : i32
      %dma_wait3A_273 = tpu.memref_slice %arg7[%dma_wait3A_271, %dma_wait3A_272] : memref<64x512xf32, #tpu.memory_space<vmem>> -> memref<32x512xf32, #tpu.memory_space<vmem>>
      %dma_wait3A_274 = arith.constant 0 : i32
      %dma_wait3A_275 = arith.constant 0 : i32
      %dma_wait3A_276 = tpu.memref_slice %arg2[%select_n3A, %select_n3A_153, %dma_wait3A_274, %dma_wait3A_275] : memref<2x16x2048x512xf32, #tpu.memory_space<hbm>> -> memref<1x1x32x512xf32, #tpu.memory_space<hbm>>
      %dma_wait3A_277 = tpu.memref_squeeze %dma_wait3A_276 : memref<1x1x32x512xf32, #tpu.memory_space<hbm>> -> memref<32x512xf32, #tpu.memory_space<hbm>>
      tpu.wait_dma2 semaphore(%arg10 : memref<!tpu.dma_semaphore, #tpu.memory_space<semaphore_mem>>) src(%dma_wait3A_277 : memref<32x512xf32, #tpu.memory_space<hbm>>) dst(%dma_wait3A_273 : memref<32x512xf32, #tpu.memory_space<vmem>>)
      %ge3A_278 = arith.constant 2 : i32
      %ge3A_279 = arith.cmpi sge, %add3A_263, %ge3A_278 : i32
      %convert_element_type3A_280 = arith.extui %ge3A_279 : i1 to i32
      %cond3A_281 = arith.constant 0 : i32
      %cond3A_282 = arith.cmpi ne, %convert_element_type3A_280, %cond3A_281 : i32
      scf.if %cond3A_282 {
        %dma_wait3A_307 = arith.constant 32 : i32
        %dma_wait3A_308 = arith.constant 0 : i32
        %dma_wait3A_309 = tpu.memref_slice %arg8[%dma_wait3A_307, %dma_wait3A_308] : memref<64x512xf32, #tpu.memory_space<vmem>> -> memref<32x512xf32, #tpu.memory_space<vmem>>
        %dma_wait3A_310 = arith.constant 0 : i32
        %dma_wait3A_311 = arith.constant 0 : i32
        %dma_wait3A_312 = tpu.memref_slice %arg4[%select_n3A, %select_n3A_153, %dma_wait3A_310, %dma_wait3A_311] : memref<2x16x2048x512xf32, #tpu.memory_space<hbm>> -> memref<1x1x32x512xf32, #tpu.memory_space<hbm>>
        %dma_wait3A_313 = tpu.memref_squeeze %dma_wait3A_312 : memref<1x1x32x512xf32, #tpu.memory_space<hbm>> -> memref<32x512xf32, #tpu.memory_space<hbm>>
        %dma_wait3A_314 = arith.constant 0 : i32
        %dma_wait3A_315 = arith.constant 0 : i32
        %dma_wait3A_316 = tpu.memref_slice %arg4[%select_n3A, %select_n3A_153, %dma_wait3A_314, %dma_wait3A_315] : memref<2x16x2048x512xf32, #tpu.memory_space<hbm>> -> memref<1x1x32x512xf32, #tpu.memory_space<hbm>>
        %dma_wait3A_317 = tpu.memref_squeeze %dma_wait3A_316 : memref<1x1x32x512xf32, #tpu.memory_space<hbm>> -> memref<32x512xf32, #tpu.memory_space<hbm>>
        %dma_wait3A_318 = arith.constant 32 : i32
        %dma_wait3A_319 = arith.constant 0 : i32
        %dma_wait3A_320 = tpu.memref_slice %arg8[%dma_wait3A_318, %dma_wait3A_319] : memref<64x512xf32, #tpu.memory_space<vmem>> -> memref<32x512xf32, #tpu.memory_space<vmem>>
        tpu.wait_dma2 semaphore(%arg12 : memref<!tpu.dma_semaphore, #tpu.memory_space<semaphore_mem>>) src(%dma_wait3A_320 : memref<32x512xf32, #tpu.memory_space<vmem>>) dst(%dma_wait3A_317 : memref<32x512xf32, #tpu.memory_space<hbm>>)
      } else {
      }
      %parallel_loop3A_283 = arith.constant 0 : i32
      %parallel_loop3A_284 = arith.constant 1024 : i32
      %parallel_loop3A_285 = arith.constant 1 : i32
      scf.for %parallel_loop3A_307 = %parallel_loop3A_283 to %parallel_loop3A_284 step %parallel_loop3A_285  : i32 {
        %parallel_loop3A_308 = arith.constant 32 : i32
        %parallel_loop3A_309 = arith.divsi %parallel_loop3A_307, %parallel_loop3A_308 : i32
        %parallel_loop3A_310 = arith.constant 0 : i32
        %parallel_loop3A_311 = arith.cmpi sgt, %parallel_loop3A_307, %parallel_loop3A_310 : i32
        %parallel_loop3A_312 = arith.extui %parallel_loop3A_311 : i1 to i32
        %parallel_loop3A_313 = arith.constant 0 : i32
        %parallel_loop3A_314 = arith.cmpi slt, %parallel_loop3A_307, %parallel_loop3A_313 : i32
        %parallel_loop3A_315 = arith.extui %parallel_loop3A_314 : i1 to i32
        %parallel_loop3A_316 = arith.subi %parallel_loop3A_312, %parallel_loop3A_315 : i32
        %parallel_loop3A_317 = arith.constant 0 : i32
        %parallel_loop3A_318 = arith.cmpi sgt, %parallel_loop3A_308, %parallel_loop3A_317 : i32
        %parallel_loop3A_319 = arith.extui %parallel_loop3A_318 : i1 to i32
        %parallel_loop3A_320 = arith.constant 0 : i32
        %parallel_loop3A_321 = arith.cmpi slt, %parallel_loop3A_308, %parallel_loop3A_320 : i32
        %parallel_loop3A_322 = arith.extui %parallel_loop3A_321 : i1 to i32
        %parallel_loop3A_323 = arith.subi %parallel_loop3A_319, %parallel_loop3A_322 : i32
        %parallel_loop3A_324 = arith.cmpi ne, %parallel_loop3A_316, %parallel_loop3A_323 : i32
        %parallel_loop3A_325 = arith.remsi %parallel_loop3A_307, %parallel_loop3A_308 : i32
        %parallel_loop3A_326 = arith.constant 0 : i32
        %parallel_loop3A_327 = arith.cmpi ne, %parallel_loop3A_325, %parallel_loop3A_326 : i32
        %parallel_loop3A_328 = arith.andi %parallel_loop3A_324, %parallel_loop3A_327 : i1
        %parallel_loop3A_329 = arith.constant 1 : i32
        %parallel_loop3A_330 = arith.subi %parallel_loop3A_309, %parallel_loop3A_329 : i32
        %parallel_loop3A_331 = arith.select %parallel_loop3A_328, %parallel_loop3A_330, %parallel_loop3A_309 : i32
        %parallel_loop3A_332 = arith.constant 32 : i32
        %parallel_loop3A_333 = arith.addi %parallel_loop3A_332, %parallel_loop3A_331 : i32
        %parallel_loop3A_334 = arith.constant 32 : i32
        %parallel_loop3A_335 = arith.constant 0 : i32
        %parallel_loop3A_336 = arith.cmpi eq, %parallel_loop3A_334, %parallel_loop3A_335 : i32
        %parallel_loop3A_337 = arith.constant 1 : i32
        %parallel_loop3A_338 = arith.select %parallel_loop3A_336, %parallel_loop3A_337, %parallel_loop3A_334 : i32
        %parallel_loop3A_339 = arith.remsi %parallel_loop3A_307, %parallel_loop3A_338 : i32
        %parallel_loop3A_340 = arith.constant 0 : i32
        %parallel_loop3A_341 = arith.cmpi ne, %parallel_loop3A_339, %parallel_loop3A_340 : i32
        %parallel_loop3A_342 = arith.constant 0 : i32
        %parallel_loop3A_343 = arith.cmpi slt, %parallel_loop3A_339, %parallel_loop3A_342 : i32
        %parallel_loop3A_344 = arith.constant 0 : i32
        %parallel_loop3A_345 = arith.cmpi slt, %parallel_loop3A_338, %parallel_loop3A_344 : i32
        %parallel_loop3A_346 = arith.xori %parallel_loop3A_343, %parallel_loop3A_345 : i1
        %parallel_loop3A_347 = arith.andi %parallel_loop3A_346, %parallel_loop3A_341 : i1
        %parallel_loop3A_348 = arith.addi %parallel_loop3A_339, %parallel_loop3A_338 : i32
        %parallel_loop3A_349 = arith.select %parallel_loop3A_347, %parallel_loop3A_348, %parallel_loop3A_339 : i32
        %parallel_loop3A_350 = arith.constant 16 : i32
        %parallel_loop3A_351 = arith.muli %parallel_loop3A_349, %parallel_loop3A_350 : i32
        %parallel_loop3A_352 = arith.index_cast %parallel_loop3A_333 : i32 to index
        %parallel_loop3A_353 = arith.index_cast %parallel_loop3A_351 : i32 to index
        %parallel_loop3A_354 = tpu.vector_load %arg7[%parallel_loop3A_352, %parallel_loop3A_353] {strides = array<i32>} : memref<64x512xf32, #tpu.memory_space<vmem>>, vector<16xf32>,
        %parallel_loop3A_355 = arith.constant 0.000000e+00 : f32
        %parallel_loop3A_356 = vector.broadcast %parallel_loop3A_355 : f32 to vector<16xf32>
        %parallel_loop3A_357 = arith.maximumf %parallel_loop3A_354, %parallel_loop3A_356 : vector<16xf32>
        %parallel_loop3A_358 = arith.constant 1.270000e+02 : f32
        %parallel_loop3A_359 = vector.broadcast %parallel_loop3A_358 : f32 to vector<16xf32>
        %parallel_loop3A_360 = arith.minimumf %parallel_loop3A_357, %parallel_loop3A_359 : vector<16xf32>
        %parallel_loop3A_361 = arith.fptosi %parallel_loop3A_360 : vector<16xf32> to vector<16xi32>
        %parallel_loop3A_362 = tpu.vector_load_idx %arg5[%parallel_loop3A_361] : memref<128xf32, #tpu.memory_space<vmem>>[vector<16xi32>], vector<16xf32>,
        %parallel_loop3A_363 = tpu.vector_load_idx %arg6[%parallel_loop3A_361] : memref<128xf32, #tpu.memory_space<vmem>>[vector<16xi32>], vector<16xf32>,
        %parallel_loop3A_364 = arith.sitofp %parallel_loop3A_361 : vector<16xi32> to vector<16xf32>
        %parallel_loop3A_365 = arith.subf %parallel_loop3A_354, %parallel_loop3A_364 : vector<16xf32>
        %parallel_loop3A_366 = arith.mulf %parallel_loop3A_363, %parallel_loop3A_365 : vector<16xf32>
        %parallel_loop3A_367 = arith.addf %parallel_loop3A_362, %parallel_loop3A_366 : vector<16xf32>
        %parallel_loop3A_368 = arith.index_cast %parallel_loop3A_333 : i32 to index
        %parallel_loop3A_369 = arith.index_cast %parallel_loop3A_351 : i32 to index
        %parallel_loop3A_370 = tpu.vector_load %arg8[%parallel_loop3A_368, %parallel_loop3A_369] {strides = array<i32>} : memref<64x512xf32, #tpu.memory_space<vmem>>, vector<16xf32>,
        tpu.vector_store %arg8[%parallel_loop3A_368, %parallel_loop3A_369], %parallel_loop3A_367 {strides = array<i32>} : memref<64x512xf32, #tpu.memory_space<vmem>>, vector<16xf32>,
      } {sc.loop_unroll_factor = 8 : i64, sc.parallel_access}
      %mul3A_286 = arith.constant 32 : i32
      %mul3A_287 = arith.muli %add3A_263, %mul3A_286 : i32
      %dma_start3A_288 = arith.constant 32 : i32
      %dma_start3A_289 = arith.constant 0 : i32
      %dma_start3A_290 = tpu.memref_slice %arg8[%dma_start3A_288, %dma_start3A_289] : memref<64x512xf32, #tpu.memory_space<vmem>> -> memref<32x512xf32, #tpu.memory_space<vmem>>
      %dma_start3A_291 = arith.constant 0 : i32
      %dma_start3A_292 = tpu.memref_slice %arg4[%select_n3A, %select_n3A_153, %mul3A_287, %dma_start3A_291] : memref<2x16x2048x512xf32, #tpu.memory_space<hbm>> -> memref<1x1x32x512xf32, #tpu.memory_space<hbm>>
      %dma_start3A_293 = tpu.memref_squeeze %dma_start3A_292 : memref<1x1x32x512xf32, #tpu.memory_space<hbm>> -> memref<32x512xf32, #tpu.memory_space<hbm>>
      %dma_start3A_294 = arith.constant 0 : i32
      %dma_start3A_295 = tpu.memref_slice %arg4[%select_n3A, %select_n3A_153, %mul3A_287, %dma_start3A_294] : memref<2x16x2048x512xf32, #tpu.memory_space<hbm>> -> memref<1x1x32x512xf32, #tpu.memory_space<hbm>>
      %dma_start3A_296 = tpu.memref_squeeze %dma_start3A_295 : memref<1x1x32x512xf32, #tpu.memory_space<hbm>> -> memref<32x512xf32, #tpu.memory_space<hbm>>
      %dma_start3A_297 = arith.constant 32 : i32
      %dma_start3A_298 = arith.constant 0 : i32
      %dma_start3A_299 = tpu.memref_slice %arg8[%dma_start3A_297, %dma_start3A_298] : memref<64x512xf32, #tpu.memory_space<vmem>> -> memref<32x512xf32, #tpu.memory_space<vmem>>
      tpu.enqueue_dma source(%dma_start3A_299 : memref<32x512xf32, #tpu.memory_space<vmem>>) target(%dma_start3A_296 : memref<32x512xf32, #tpu.memory_space<hbm>>) target_semaphore(%arg12 : memref<!tpu.dma_semaphore, #tpu.memory_space<semaphore_mem>>)
      %add3A_300 = arith.constant 2 : i32
      %add3A_301 = arith.addi %add3A_263, %add3A_300 : i32
      %lt3A_302 = arith.constant 64 : i32
      %lt3A_303 = arith.cmpi slt, %add3A_301, %lt3A_302 : i32
      %convert_element_type3A_304 = arith.extui %lt3A_303 : i1 to i32
      %cond3A_305 = arith.constant 0 : i32
      %cond3A_306 = arith.cmpi ne, %convert_element_type3A_304, %cond3A_305 : i32
      scf.if %cond3A_306 {
        %add3A_307 = arith.constant 2 : i32
        %add3A_308 = arith.addi %add3A_263, %add3A_307 : i32
        %mul3A_309 = arith.constant 32 : i32
        %mul3A_310 = arith.muli %add3A_308, %mul3A_309 : i32
        %dma_start3A_311 = arith.constant 32 : i32
        %dma_start3A_312 = arith.constant 0 : i32
        %dma_start3A_313 = tpu.memref_slice %arg7[%dma_start3A_311, %dma_start3A_312] : memref<64x512xf32, #tpu.memory_space<vmem>> -> memref<32x512xf32, #tpu.memory_space<vmem>>
        %dma_start3A_314 = arith.constant 0 : i32
        %dma_start3A_315 = tpu.memref_slice %arg2[%select_n3A, %select_n3A_153, %mul3A_310, %dma_start3A_314] : memref<2x16x2048x512xf32, #tpu.memory_space<hbm>> -> memref<1x1x32x512xf32, #tpu.memory_space<hbm>>
        %dma_start3A_316 = tpu.memref_squeeze %dma_start3A_315 : memref<1x1x32x512xf32, #tpu.memory_space<hbm>> -> memref<32x512xf32, #tpu.memory_space<hbm>>
        %dma_start3A_317 = arith.constant 32 : i32
        %dma_start3A_318 = arith.constant 0 : i32
        %dma_start3A_319 = tpu.memref_slice %arg7[%dma_start3A_317, %dma_start3A_318] : memref<64x512xf32, #tpu.memory_space<vmem>> -> memref<32x512xf32, #tpu.memory_space<vmem>>
        %dma_start3A_320 = arith.constant 0 : i32
        %dma_start3A_321 = tpu.memref_slice %arg2[%select_n3A, %select_n3A_153, %mul3A_310, %dma_start3A_320] : memref<2x16x2048x512xf32, #tpu.memory_space<hbm>> -> memref<1x1x32x512xf32, #tpu.memory_space<hbm>>
        %dma_start3A_322 = tpu.memref_squeeze %dma_start3A_321 : memref<1x1x32x512xf32, #tpu.memory_space<hbm>> -> memref<32x512xf32, #tpu.memory_space<hbm>>
        tpu.enqueue_dma source(%dma_start3A_322 : memref<32x512xf32, #tpu.memory_space<hbm>>) target(%dma_start3A_319 : memref<32x512xf32, #tpu.memory_space<vmem>>) target_semaphore(%arg10 : memref<!tpu.dma_semaphore, #tpu.memory_space<semaphore_mem>>)
      } else {
      }
    }
    %scan3A_184 = arith.constant 32 : i32
    %dma_wait3A = arith.constant 0 : i32
    %dma_wait3A_185 = arith.constant 0 : i32
    %dma_wait3A_186 = arith.constant 0 : i32
    %dma_wait3A_187 = arith.constant 0 : i32
    %dma_wait3A_188 = tpu.memref_slice %arg8[%dma_wait3A_186, %dma_wait3A_187] : memref<64x512xf32, #tpu.memory_space<vmem>> -> memref<32x512xf32, #tpu.memory_space<vmem>>
    %dma_wait3A_189 = arith.constant 0 : i32
    %dma_wait3A_190 = arith.constant 0 : i32
    %dma_wait3A_191 = tpu.memref_slice %arg4[%dma_wait3A, %dma_wait3A_185, %dma_wait3A_189, %dma_wait3A_190] : memref<2x16x2048x512xf32, #tpu.memory_space<hbm>> -> memref<1x1x32x512xf32, #tpu.memory_space<hbm>>
    %dma_wait3A_192 = tpu.memref_squeeze %dma_wait3A_191 : memref<1x1x32x512xf32, #tpu.memory_space<hbm>> -> memref<32x512xf32, #tpu.memory_space<hbm>>
    %dma_wait3A_193 = arith.constant 0 : i32
    %dma_wait3A_194 = arith.constant 0 : i32
    %dma_wait3A_195 = tpu.memref_slice %arg4[%dma_wait3A, %dma_wait3A_185, %dma_wait3A_193, %dma_wait3A_194] : memref<2x16x2048x512xf32, #tpu.memory_space<hbm>> -> memref<1x1x32x512xf32, #tpu.memory_space<hbm>>
    %dma_wait3A_196 = tpu.memref_squeeze %dma_wait3A_195 : memref<1x1x32x512xf32, #tpu.memory_space<hbm>> -> memref<32x512xf32, #tpu.memory_space<hbm>>
    %dma_wait3A_197 = arith.constant 0 : i32
    %dma_wait3A_198 = arith.constant 0 : i32
    %dma_wait3A_199 = tpu.memref_slice %arg8[%dma_wait3A_197, %dma_wait3A_198] : memref<64x512xf32, #tpu.memory_space<vmem>> -> memref<32x512xf32, #tpu.memory_space<vmem>>
    tpu.wait_dma2 semaphore(%arg11 : memref<!tpu.dma_semaphore, #tpu.memory_space<semaphore_mem>>) src(%dma_wait3A_199 : memref<32x512xf32, #tpu.memory_space<vmem>>) dst(%dma_wait3A_196 : memref<32x512xf32, #tpu.memory_space<hbm>>)
    %dma_wait3A_200 = arith.constant 0 : i32
    %dma_wait3A_201 = arith.constant 0 : i32
    %dma_wait3A_202 = arith.constant 32 : i32
    %dma_wait3A_203 = arith.constant 0 : i32
    %dma_wait3A_204 = tpu.memref_slice %arg8[%dma_wait3A_202, %dma_wait3A_203] : memref<64x512xf32, #tpu.memory_space<vmem>> -> memref<32x512xf32, #tpu.memory_space<vmem>>
    %dma_wait3A_205 = arith.constant 0 : i32
    %dma_wait3A_206 = arith.constant 0 : i32
    %dma_wait3A_207 = tpu.memref_slice %arg4[%dma_wait3A_200, %dma_wait3A_201, %dma_wait3A_205, %dma_wait3A_206] : memref<2x16x2048x512xf32, #tpu.memory_space<hbm>> -> memref<1x1x32x512xf32, #tpu.memory_space<hbm>>
    %dma_wait3A_208 = tpu.memref_squeeze %dma_wait3A_207 : memref<1x1x32x512xf32, #tpu.memory_space<hbm>> -> memref<32x512xf32, #tpu.memory_space<hbm>>
    %dma_wait3A_209 = arith.constant 0 : i32
    %dma_wait3A_210 = arith.constant 0 : i32
    %dma_wait3A_211 = tpu.memref_slice %arg4[%dma_wait3A_200, %dma_wait3A_201, %dma_wait3A_209, %dma_wait3A_210] : memref<2x16x2048x512xf32, #tpu.memory_space<hbm>> -> memref<1x1x32x512xf32, #tpu.memory_space<hbm>>
    %dma_wait3A_212 = tpu.memref_squeeze %dma_wait3A_211 : memref<1x1x32x512xf32, #tpu.memory_space<hbm>> -> memref<32x512xf32, #tpu.memory_space<hbm>>
    %dma_wait3A_213 = arith.constant 32 : i32
    %dma_wait3A_214 = arith.constant 0 : i32
    %dma_wait3A_215 = tpu.memref_slice %arg8[%dma_wait3A_213, %dma_wait3A_214] : memref<64x512xf32, #tpu.memory_space<vmem>> -> memref<32x512xf32, #tpu.memory_space<vmem>>
    tpu.wait_dma2 semaphore(%arg12 : memref<!tpu.dma_semaphore, #tpu.memory_space<semaphore_mem>>) src(%dma_wait3A_215 : memref<32x512xf32, #tpu.memory_space<vmem>>) dst(%dma_wait3A_212 : memref<32x512xf32, #tpu.memory_space<hbm>>)
    return
  }
}

</mosaic_0001>

<sc_bundles>
// kernel: kernel.3.cloned.1.call-start
scs
__scs_entry_jumppad:
0x0: {  	(pc) =	sbr.rel $0x88, $3  }
0x1: {  	(tag) =	ssettag $0x0;
	lr =	simm.s32 $0x1  }
0x2: {  	[smem:$0x3F9F] =	sst lr;
	_ =	strace $0xD0000000  }
0x3: {  	_ = 	snop  }
0x4: {  	_ = 	snop  }
0x5: {  	_ = 	snop  }
0x6: {  	_ = 	snop  }
0x7: {  	_ = 	snop  }
__scs_overlays_trampoline_lowered:
0x8: {  	[smem:$0x3FAE] =	sst s0  }
0x9: {  	[smem:$0x3FAF] =	sst s1  }
0xa: {  	[smem:$0x3FB0] =	sst s2  }
0xb: {  	[smem:$0x3FB1] =	sst s3  }
0xc: {  	[smem:$0x3FB2] =	sst s4  }
0xd: {  	[smem:$0x3FB3] =	sst s5  }
0xe: {  	[smem:$0x3FB4] =	sst s6  }
0xf: {  	[smem:$0x3FB5] =	sst s7  }
0x10: {  	[smem:$0x3FB6] =	sst s8  }
0x11: {  	[smem:$0x3FB7] =	sst s9;
	s0 =	simm.s32 @!p0 $0x0  }
0x12: {  	s1 =	sld [smem:$0x3F9D];
	s0 =	simm.s32 @p0 $0x1  }
0x13: {  	[smem:$0x3FB8] =	sst s0;
	s0 =	simm.s32 @!p1 $0x0  }
0x14: {  	s2 =	sld [smem:$0x3F9C];
	s0 =	simm.s32 @p1 $0x1  }
0x15: {  	[smem:$0x3FB9] =	sst s0;
	s0 =	simm.s32 @!p2 $0x0  }
0x16: {  	s3 =	sld [smem:$0x3FDB];
	s0 =	simm.s32 @p2 $0x1  }
0x17: {  	s4 =	simm.s32 $0x1BF5;
	[smem:$0x3FBB] =	sst s0  }
0x18: {  	s0 =	sld [smem:$0x3F9E];
	_ =	swait.ge [sflag:s4], $0x0  }
0x19: {  	s7 =	sld [smem:$0x3F9F]  }
0x1a: {  	s8 =	sadd.s32 $0xFFFFE003, lr  }
0x1b: {  	s9 =	sadd.s32 $0xFFFFFEF7, lr;
	s5 =	simm.s32 $0xFFFFFFFF;
	p2 =	slt.u32 s8, $0xFFFFF086  }
0x1c: {  	p1 =	slt.u32 s9, $0xF7A;
	s5 =	simm.s32 @!p2 $0x0  }
0x1d: {  	s5 =	simm.s32 @p1 $0x1;
	p0 =	seq.s32 s7, s2  }
0x1e: {  	s7 =	smul.u32 @!p0 $0xF7A, s2;
	p2 =	seq.s32 @!p0 s5, $0x0  }
0x1f: {  	s9 =	smul.u32 $0xF7A, s1;
	s8 =	simm.s32 @!p0 $0x1BF5;
	p2 =	por !p2, p0  }
0x20: {  	[sflag:s8] =	ssyncset.s32 @!p0 $0xFFFFF086;
	s6 =	sadd.s32 @!p0 s3, s7;
	s7 =	simm.s32 @!p0 $0x108  }
0x21: {  	s3 =	sadd.s32 s3, s9;
	s6 =	sadd.s32 @!p0 $0x88, s6;
	s7 =	simm.s32 @p2 $0x1082  }
0x22: {  	[simem:s7], [sflag:s8] =	dma.local @!p0 [hbm:s6], $0xF7A  }
0x23: {  	s9 =	sor.u32 $0xD0000000, s2;
	s6 =	simm.s32 $0x108;
	_ =	swait.ge @!p0 [sflag:s8], $0x0  }
0x24: {  	s3 =	sadd.s32 $0x88, s3;
	s6 =	simm.s32 @!p1 $0x1082;
	[sflag:s4] =	ssyncset.s32 $0xFFFFF086  }
0x25: {  	[simem:s6], [sflag:s4] =	dma.local [hbm:s3], $0xF7A  }
0x26: {  	[smem:$0x3F9F] =	sst s1;
	(tag) =	ssettag s2;
	_ =	strace s9  }
0x27: {  	s1 =	sld [smem:$0x3FAF]  }
0x28: {  	s2 =	sld [smem:$0x3FB0]  }
0x29: {  	s4 =	sld [smem:$0x3FB2]  }
0x2a: {  	p0 =	seq.s32 s5, $0x0;
	s5 =	sld [smem:$0x3FB3]  }
0x2b: {  	s6 =	sld [smem:$0x3FB4]  }
0x2c: {  	s7 =	sld [smem:$0x3FB5]  }
0x2d: {  	s3 =	simm.s32 $0x108;
	s8 =	sld [smem:$0x3FB6]  }
0x2e: {  	s3 =	simm.s32 @!p0 $0x1082;
	s9 =	sld [smem:$0x3FB7]  }
0x2f: {  	lr =	sadd.s32 s0, s3;
	s0 =	sld [smem:$0x3FAE]  }
0x30: {  	s3 =	sld [smem:$0x3FB1]  }
0x31: {  	[smem:$0x3FBA] =	sst s10  }
0x32: {  	s10 =	sld [smem:$0x3FB8];
	_ =	sdelay $0x3  }
0x33: {  	p0 =	seq.s32 s10, $0x1;
	s10 =	sld [smem:$0x3FBA];
	_ =	sdelay $0x3  }
0x34: {  	[smem:$0x3FBA] =	sst s10  }
0x35: {  	s10 =	sld [smem:$0x3FB9];
	_ =	sdelay $0x3  }
0x36: {  	p1 =	seq.s32 s10, $0x1;
	s10 =	sld [smem:$0x3FBA];
	_ =	sdelay $0x3  }
0x37: {  	[smem:$0x3FBA] =	sst s10  }
0x38: {  	s10 =	sld [smem:$0x3FBB]  }
0x39: {  	_ = 	snop;
	(pc) =	sbr.ind lr, $3  }
0x3a: {  	_ = 	snop  }
0x3b: {  	_ = 	snop  }
0x3c: {  	p2 =	seq.s32 s10, $0x1;
	s10 =	sld [smem:$0x3FBA]  }
0x3d: {  	_ =	shalt  }
0x3e: {  	_ =	shalt  }
0x3f: {  	_ =	shalt  }
0x40: {  	_ =	shalt  }
0x41: {  	_ =	shalt  }
0x42: {  	_ =	shalt  }
0x43: {  	_ =	shalt  }
0x44: {  	_ =	shalt  }
0x45: {  	_ =	shalt  }
0x46: {  	_ =	shalt  }
0x47: {  	_ =	shalt  }
0x48: {  	_ =	shalt  }
0x49: {  	_ =	shalt  }
0x4a: {  	_ =	shalt  }
0x4b: {  	_ =	shalt  }
0x4c: {  	_ =	shalt  }
0x4d: {  	_ =	shalt  }
0x4e: {  	_ =	shalt  }
0x4f: {  	_ =	shalt  }
0x50: {  	_ =	shalt  }
0x51: {  	_ =	shalt  }
0x52: {  	_ =	shalt  }
0x53: {  	_ =	shalt  }
0x54: {  	_ =	shalt  }
0x55: {  	_ =	shalt  }
0x56: {  	_ =	shalt  }
0x57: {  	_ =	shalt  }
0x58: {  	_ =	shalt  }
0x59: {  	_ =	shalt  }
0x5a: {  	_ =	shalt  }
0x5b: {  	_ =	shalt  }
0x5c: {  	_ =	shalt  }
0x5d: {  	_ =	shalt  }
0x5e: {  	_ =	shalt  }
0x5f: {  	_ =	shalt  }
0x60: {  	_ =	shalt  }
0x61: {  	_ =	shalt  }
0x62: {  	_ =	shalt  }
0x63: {  	_ =	shalt  }
0x64: {  	_ =	shalt  }
0x65: {  	_ =	shalt  }
0x66: {  	_ =	shalt  }
0x67: {  	_ =	shalt  }
0x68: {  	_ =	shalt  }
0x69: {  	_ =	shalt  }
0x6a: {  	_ =	shalt  }
0x6b: {  	_ =	shalt  }
0x6c: {  	_ =	shalt  }
0x6d: {  	_ =	shalt  }
0x6e: {  	_ =	shalt  }
0x6f: {  	_ =	shalt  }
0x70: {  	_ =	shalt  }
0x71: {  	_ =	shalt  }
0x72: {  	_ =	shalt  }
0x73: {  	_ =	shalt  }
0x74: {  	_ =	shalt  }
0x75: {  	_ =	shalt  }
0x76: {  	_ =	shalt  }
0x77: {  	_ =	shalt  }
0x78: {  	_ =	shalt  }
0x79: {  	_ =	shalt  }
0x7a: {  	_ =	shalt  }
0x7b: {  	_ =	shalt  }
0x7c: {  	_ =	shalt  }
0x7d: {  	_ =	shalt  }
0x7e: {  	_ =	shalt  }
0x7f: {  	_ =	shalt  }
0x80: {  	_ =	shalt  }
0x81: {  	_ =	shalt  }
0x82: {  	_ =	shalt  }
0x83: {  	_ =	shalt  }
0x84: {  	_ =	shalt  }
0x85: {  	_ =	shalt  }
0x86: {  	_ =	shalt  }
0x87: {  	_ =	shalt  }
.Lfunc_end0:
.L_simem_size_0:
called_computation_lowered:
.L_overlay_start_0:
0x88: {  	s2 =	sld [smem:$0x3FD9]  }
0x89: {  	s3 =	sld [smem:$0x3FFE];
	_ =	sdelay $0x1  }
0x8a: {  	s1 =	srdreg.scid  }
0x8b: {  	s0 =	sand.u32 $0x1, s1  }
0x8c: {  	s18 =	sshll.u32 s0, $0xA;
	s2 =	sadd.s32 s3, s2  }
0x8d: {  	s2 =	sadd.s32 s2, s18  }
0x8e: {  	[smem:$0x3FC6] =	sst s2  }
0x8f: {  	_ = 	snop  }
0x90: {  	s2 =	sld [smem:$0x3FC9]  }
0x91: {  	s19 =	sld [smem:$0x3FC8]  }
0x92: {  	s4 =	sld [smem:$0x3FD0];
	(tm) =	ssettm $0x1  }
0x93: {  	s5 =	sld [smem:$0x3FFB];
	_ =	sdelay $0x3  }
0x94: {  	_ =	strace s5  }
0x95: {  	s5 =	sld [smem:$0x3FFC];
	_ =	sdelay $0x3  }
0x96: {  	_ =	strace s5  }
0x97: {  	s5 =	sld [smem:$0x3FFD];
	_ =	sdelay $0x3  }
0x98: {  	_ =	strace s5  }
0x99: {  	_ =	strace $0x8FFFFFFF  }
0x9a: {  	s20 =	sld [smem:$0x3FDB];
	_ =	sdelay $0x1  }
0x9b: {  	s6 =	simm.s32 $_scs_section_size  }
0x9c: {  	s7 =	simm.s32 $_size__tile_overlayer_lowered;
	s8 =	simm.s32 $_tile_overlayer_lowered  }
0x9d: {  	s23 =	simm.s32 $0x1BFF;
	s22 =	sshll.u32 s8, $0x1;
	s5 =	sadd.s32 s6, s20  }
0x9e: {  	s9 =	simm.s32 $0x0;
	s21 =	sshll.u32 s7, $0x1;
	s7 =	sadd.s32 s22, s5  }
0x9f: {  	[timem:s9], [sflag:s23] =	dma.local [hbm:s7], s21  }
0xa0: {  	_ =	swait.ge [sflag:s23], s21  }
0xa1: {  	s6 =	ssub.s32 $0x0, s21;
	[sflag:s23] =	ssyncset.done $0x0  }
0xa2: {  	[sflag:s23] =	ssyncadd.s32 s6;
	_ =	sdelay $0x1  }
0xa3: {  	s24 =	simm.s32 $0x1B8B  }
0xa4: {  	_ =	swait.ge [sflag:s24], $0x1  }
0xa5: {  	[sflag:s24] =	ssyncset.done $0x0  }
0xa6: {  	s25 =	simm.s32 $0x1B8E;
	[sflag:s24] =	ssyncadd.s32 $0xFFFFFFFF  }
0xa7: {  	s26 =	simm.s32 $execute0_lowered;
	[smem:$0x3FD2] =	sst s25  }
0xa8: {  	s6 =	sshll.u32 s26, $0x1;
	_ =	strace $0x80000046;
	[dreg:$0x1] =	wrdreg $0xFFFFFFFF  }
0xa9: {  	s28 =	simm.s32 $_size_execute0_lowered;
	s5 =	sadd.s32 s5, s6;
	[dreg:$0x0] =	wrdreg $0x0  }
0xaa: {  	s6 =	sshll.u32 s28, $0x1;
	[dreg:$0x2] =	wrdreg s5  }
0xab: {  	[dreg:$0x3] =	wrdreg s6  }
0xac: {  	[dreg:$0x4] =	wrdreg $0xC0  }
0xad: {  	_ =	task [dreg:s9], $0x5FFFF  }
0xae: {  	[dreg:$0x1] =	wrdreg $0xFFFFFFFF  }
0xaf: {  	[dreg:$0x0] =	wrdreg $0x60  }
0xb0: {  	[dreg:$0x2] =	wrdreg s2  }
0xb1: {  	[dreg:$0x3] =	wrdreg s19  }
0xb2: {  	[dreg:$0x4] =	wrdreg s4  }
0xb3: {  	[dreg:$0x5] =	wrdreg $0x9  }
0xb4: {  	_ =	task.clear_ibuf [dreg:s9], $0x6FFFF;
	_ =	strace $0x90000046  }
0xb5: {  	s29 =	simm.s32 $0x9;
	_ =	strace $0x80000048  }
0xb6: {  	_ =	swait.ge [sflag:s29], $0x1  }
0xb7: {  	[sflag:s29] =	ssyncadd.s32 $0xFFFFFFFF  }
0xb8: {  	_ =	strace $0x90000048  }
0xb9: {  	_ =	sfence  }
0xba: {  	s30 =	sld [smem:$0x0];
	_ =	sdelay $0x2  }
0xbb: {  	s31 =	sshll.u32 s1, $0xD;
	s1 =	sshrl.u32 s1, $0x2  }
0xbc: {  	s3 =	sand.u32 $0x4000, s31;
	s1 =	sadd.s32 s1, s30  }
0xbd: {  	s0 =	sor.u32 s3, s0;
	s1 =	sshll.u32 s1, $0x11  }
0xbe: {  	s0 =	sor.u32 s1, s0  }
0xbf: {  	s0 =	sadd.s32 $0x8F2B, s0  }
0xc0: {  	[sflag:s0] =	ssyncadd.remote.s32 $0x1  }
0xc1: {  	_ =	sfence.sel $0xFFFF  }
0xc2: {  	[dreg:$0x0] =	wrdreg $0xFFFFFFFF;
	(pc) =	sbr.abs _section_cstart, $3  }
0xc3: {  	[dreg:$0x1] =	wrdreg $0xFFFFFFFF  }
0xc4: {  	_ =	task.clear_ibuf [dreg:s9], $0x2FFFF;
	_ =	strace $0x9FFFFFFF  }
0xc5: {  	(tm) =	ssettm $0x7FFFFFFF  }
tec
execute0_lowered:
.L_overlay_start_1:
0x0: {  	(tag) =	ssettag $0x1  }
0x1: {  	s0 =	stileid.u32;
	s1 =	rddreg [dreg:$0x0]  }
0x2: {  	s2 =	srdreg.scid;
	s4 =	rddreg [dreg:$0x2]  }
0x3: {  	s13 =	simm.s32 $0x100;
	s14 =	simm.s32 $0x4100;
	s15 =	simm.s32 $0x1  }
0x4: {  	s16 =	simm.s32 $0x80;
	s17 =	simm.s32 $0x8100;
	s18 =	simm.s32 $0x2  }
0x5: {  	s19 =	simm.s32 $0x4;
	s20 =	simm.s32 $0xC100;
	s21 =	simm.s32 $0x3  }
0x6: {  	s22 =	simm.s32 $0x0;
	s3 =	sshll.u32 s0, $0x1;
	s7 =	sand.u32 $0x1, s2  }
0x7: {  	v2 =	vimm.s32 $0x7C7B7A79;
	v3 =	vimm.s32 $0x74737271;
	s5 =	sshll.u32 s0, $0x15;
	s30 =	sand.u32 $0xE, s3;
	s3 =	rddreg [dreg:$0x1]  }
0x8: {  	v6 =	vlaneseq.u32;
	v4 =	vimm.s32 $0x78777675;
	vm0 =	vcmask $0x1F10;
	s6 =	sand.u32 $0x1000000, s5;
	s5 =	simm.s32 $0x0;
	s2 =	sor.u32 s7, s30  }
.Ltmp0:
0x9: {  	v0 =	vadd.s32 $0x1, v6;
	v5 =	vunpack.c.0.s8.s32 v2;
	v2 =	vimm.s32 $0x7F7F7E7D;
	s11 =	ssub.s32 $0x2, s7;
	s8 =	sshll.u32 s2, $0x14;
	(pc) =	sbr.rel .LBB2_1-.Ltmp0, $4  }
0xa: {  	v8 =	vunpack.c.0.s8.s32 v3;
	v9 =	vunpack.c.0.s8.s32 v4;
	v7 =	vunpack.c.0.s8.s32 v2;
	[smem:$0x7FF] =	sst s5;
	s12 =	sshrl.u32 s11, $0x1;
	s6 =	sor.u32 s6, s8  }
0xb: {  	v1 =	vadd.s32 $0x11, v6;
	v3 =	vadd.s32 $0x31, v6;
	v4 =	vadd.s32 $0x41, v6;
	_ =	strace $0x80000047;
	s11 =	ssub.s32 s11, s12;
	s31 =	sshrl.u32 s6, $0x3  }
0xc: {  	v2 =	vadd.s32 $0x21, v6;
	v8 =	vsel vm0, v9, v8;
	s12 =	simm.s32 $0x5;
	v7 =	vsel vm0, v7, v5;
	s11 =	smax.u32 s11, $0x1;
	s7 =	sadd.s32 s1, s31  }
0xd: {  	v5 =	vadd.s32 $0x51, v6;
	v6 =	vadd.s32 $0x61, v6;
	v7 =	vcombine.low v8, v7;
	s9 =	sor.u32 $0x8000, s6;
	s10 =	sor.u32 $0xC000, s6;
	s8 =	sadd.s32 $0x800, s7  }
.LBB2_12:
0xe: {  	s22 =	sadd.s32 $0x1, s22  }
0xf: {  	_ =	swait.ge [sflag:s21], $0x4000;
	p0 =	sne.s32 s22, s11  }
.Ltmp1:
0x10: {  	[sflag:s21] =	ssyncset.done $0x0;
	(pc) =	sbr.rel @!p0 .LBB2_13-.Ltmp1, $4  }
0x11: {  	[sflag:s21] =	ssyncadd.s32 $0xFFFFC000  }
0x12: {  	_ =	swait.ge [sflag:s19], $0x4000  }
0x13: {  	[sflag:s19] =	ssyncset.done $0x0  }
0x14: {  	[sflag:s19] =	ssyncadd.s32 $0xFFFFC000  }
.LBB2_1:
0x15: {  	[tilespmem:s5], [sflag:$0x5] =	stream.linear.gather [hbm4b:s3+s5], $0x80, $0x38;
	[tilespmem:$0x10100] =	vst v63  }
0x16: {  	_ =	swait.ge [sflag:s12], $0x80  }
0x17: {  	[sflag:s12] =	ssyncset.done $0x0  }
0x18: {  	[sflag:s12] =	ssyncadd.s32 $0xFFFFFF80  }
0x19: {  	v8 =	vld [tilespmem:$0x0]  }
0x1a: {  	v9 =	vld.idx.msk [tilespmem:v0+s5+$0x0], $0xffff;
	_ =	sdelay $0x4  }
0x1b: {  	v8 =	vsub.f32 v9, v8;
	_ =	sdelay $0x1  }
0x1c: {  	[tilespmem:$0x80] =	vst v8;
	v8 =	vld [tilespmem:$0x10]  }
0x1d: {  	v57 =	vld.idx.msk [tilespmem:v1+s5+$0x0], $0xffff;
	_ =	sdelay $0x4  }
0x1e: {  	v8 =	vsub.f32 v57, v8;
	_ =	sdelay $0x1  }
0x1f: {  	[tilespmem:$0x90] =	vst v8;
	v8 =	vld [tilespmem:$0x20]  }
0x20: {  	v58 =	vld.idx.msk [tilespmem:v2+s5+$0x0], $0xffff;
	_ =	sdelay $0x4  }
0x21: {  	v8 =	vsub.f32 v58, v8;
	_ =	sdelay $0x1  }
0x22: {  	[tilespmem:$0xA0] =	vst v8;
	v8 =	vld [tilespmem:$0x30]  }
0x23: {  	v59 =	vld.idx.msk [tilespmem:v3+s5+$0x0], $0xffff;
	_ =	sdelay $0x4  }
0x24: {  	v8 =	vsub.f32 v59, v8;
	_ =	sdelay $0x1  }
0x25: {  	[tilespmem:$0xB0] =	vst v8;
	v8 =	vld [tilespmem:$0x40]  }
0x26: {  	v60 =	vld.idx.msk [tilespmem:v4+s5+$0x0], $0xffff;
	_ =	sdelay $0x4  }
0x27: {  	v8 =	vsub.f32 v60, v8;
	_ =	sdelay $0x1  }
0x28: {  	[tilespmem:$0xC0] =	vst v8;
	v8 =	vld [tilespmem:$0x50]  }
0x29: {  	v61 =	vld.idx.msk [tilespmem:v5+s5+$0x0], $0xffff;
	_ =	sdelay $0x4  }
0x2a: {  	v8 =	vsub.f32 v61, v8;
	_ =	sdelay $0x1  }
0x2b: {  	[tilespmem:$0xD0] =	vst v8;
	v8 =	vld [tilespmem:$0x60]  }
0x2c: {  	v62 =	vld.idx.msk [tilespmem:v6+s5+$0x0], $0xffff;
	_ =	sdelay $0x4  }
0x2d: {  	v8 =	vsub.f32 v62, v8;
	_ =	sdelay $0x1  }
0x2e: {  	[tilespmem:$0xE0] =	vst v8;
	v8 =	vld [tilespmem:$0x70]  }
0x2f: {  	v63 =	vld.idx.msk [tilespmem:v7+s5+$0x0], $0xffff;
	_ =	sdelay $0x4  }
0x30: {  	v8 =	vsub.f32 v63, v8;
	_ =	sdelay $0x1  }
0x31: {  	[tilespmem:$0xF0] =	vst v8  }
0x32: {  	[tilespmem:s13], [sflag:$0x1] =	stream.linear.gather [hbm4b:s7+s5], $0x4000, $0x38;
	[tilespmem:$0x10100] =	vst v63  }
0x33: {  	s23 =	simm.s32 $0x0  }
0x34: {  	[tilespmem:s14], [sflag:$0x2] =	stream.linear.gather [hbm4b:s8+s5], $0x4000, $0x38;
	[tilespmem:$0x10100] =	vst v63  }
.LBB2_2:
0x35: {  	_ =	swait.ge [sflag:s15], $0x4000;
	p0 =	seq.s32 s23, $0x0  }
0x36: {  	s25 =	simm.s32 $0x0;
	s26 =	simm.s32 $0x0;
	[sflag:s15] =	ssyncset.done $0x0  }
0x37: {  	s28 =	simm.s32 $0x0;
	s24 =	simm.s32 @!p0 $0x3;
	[sflag:s15] =	ssyncadd.s32 $0xFFFFC000  }
0x38: {  	s26 =	sand.u32 $0x3000, s26;
	s25 =	sand.u32 $0xC00, s25;
	_ =	swait.ge @!p0 [sflag:s24], $0x4000  }
0x39: {  	s2 =	sand.u32 $0x380, s28;
	s25 =	sor.u32 s25, s26;
	[sflag:s24] =	ssyncset.done @!p0 $0x0  }
0x3a: {  	s25 =	sor.u32 s2, s25;
	[sflag:s24] =	ssyncadd.s32 @!p0 $0xFFFFC000  }
0x3b: {  	v9 =	vld [tilespmem:s25+$0x170]  }
0x3c: {  	v10 =	vld [tilespmem:s25+$0x100]  }
0x3d: {  	v11 =	vld [tilespmem:s25+$0x110]  }
0x3e: {  	v12 =	vld [tilespmem:s25+$0x120];
	_ =	sdelay $0x2  }
0x3f: {  	v14 =	vld [tilespmem:s25+$0x130];
	v8 =	vmax.f32 v9, $0.0e+00  }
0x40: {  	v13 =	vmax.f32 v10, $0.0e+00;
	v8 =	vmin.f32 v8, $1.270000000e+02  }
0x41: {  	v16 =	vmax.f32 v11, $0.0e+00;
	v17 =	vmax.f32 v12, $0.0e+00;
	v8 =	vtrunc.f32 v8  }
0x42: {  	s28 =	simm.s32 $0x400;
	s26 =	simm.s32 $0x80;
	v19 =	vld [tilespmem:s25+$0x150];
	v13 =	vmin.f32 v13, $1.270000000e+02;
	v16 =	vmin.f32 v16, $1.270000000e+02;
	v8 =	vcvt.f32.s32 v8  }
0x43: {  	s29 =	simm.s32 $0x20;
	s30 =	sand.u32 $0xC00, s28;
	s24 =	sand.u32 $0x3000, s26;
	v23 =	vld [tilespmem:s25+$0x160];
	v17 =	vmin.f32 v17, $1.270000000e+02;
	v13 =	vtrunc.f32 v13;
	v16 =	vtrunc.f32 v16  }
0x44: {  	s31 =	sand.u32 $0x380, s29;
	v15 =	vld [tilespmem:s25+$0x140];
	s24 =	sor.u32 s30, s24;
	v18 =	vmax.f32 v14, $0.0e+00;
	v17 =	vtrunc.f32 v17;
	v21 =	vcvt.f32.s32 v13  }
0x45: {  	s26 =	sor.u32 s31, s24;
	v13 =	vmin.f32 v18, $1.270000000e+02;
	v22 =	vcvt.f32.s32 v16;
	v20 =	vcvt.s32.f32 v8  }
0x46: {  	v41 =	vld [tilespmem:s26+$0x170];
	v24 =	vcvt.f32.s32 v17;
	v13 =	vtrunc.f32 v13  }
0x47: {  	v17 =	vmax.f32 v19, $0.0e+00;
	v31 =	vcvt.f32.s32 v13;
	v9 =	vsub.f32 v9, v20;
	v20 =	vld [tilespmem:s26+$0x100]  }
0x48: {  	v18 =	vmax.f32 v23, $0.0e+00;
	v17 =	vmin.f32 v17, $1.270000000e+02;
	v16 =	vld.idx.msk [tilespmem:v8+s16+$0x0], $0xffff  }
0x49: {  	v18 =	vmin.f32 v18, $1.270000000e+02;
	v13 =	vmax.f32 v15, $0.0e+00;
	v17 =	vtrunc.f32 v17;
	v25 =	vld.idx.msk [tilespmem:v8+s5+$0x0], $0xffff  }
0x4a: {  	v18 =	vtrunc.f32 v18;
	v13 =	vmin.f32 v13, $1.270000000e+02;
	v33 =	vcvt.f32.s32 v17;
	v26 =	vld.idx.msk [tilespmem:v21+s16+$0x0], $0xffff  }
0x4b: {  	v17 =	vcvt.s32.f32 v22;
	v13 =	vtrunc.f32 v13;
	v27 =	vld.idx.msk [tilespmem:v22+s16+$0x0], $0xffff  }
0x4c: {  	v28 =	vld.idx.msk [tilespmem:v24+s16+$0x0], $0xffff;
	v8 =	vcvt.f32.s32 v18;
	v18 =	vcvt.s32.f32 v24  }
0x4d: {  	v32 =	vcvt.f32.s32 v13;
	v13 =	vcvt.s32.f32 v21;
	v30 =	vld.idx.msk [tilespmem:v31+s16+$0x0], $0xffff  }
0x4e: {  	v29 =	vcvt.s32.f32 v31;
	v11 =	vsub.f32 v11, v17;
	v17 =	vsub.f32 v12, v18;
	v12 =	vld [tilespmem:s26+$0x130]  }
0x4f: {  	v35 =	vcvt.s32.f32 v33;
	v10 =	vsub.f32 v10, v13;
	v34 =	vcvt.s32.f32 v32;
	v18 =	vld [tilespmem:s26+$0x150]  }
0x50: {  	v36 =	vcvt.s32.f32 v8;
	v9 =	vmul.f32 v9, v16  }
0x51: {  	v14 =	vsub.f32 v14, v29;
	v45 =	vld.idx.msk [tilespmem:v21+s5+$0x0], $0xffff;
	v39 =	vmul.f32 v10, v26;
	v29 =	vmul.f32 v11, v27  }
0x52: {  	v16 =	vld [tilespmem:s26+$0x110];
	v10 =	vmax.f32 v41, $0.0e+00;
	v40 =	vadd.f32 v9, v25;
	v9 =	vmul.f32 v17, v28  }
0x53: {  	v13 =	vld [tilespmem:s26+$0x120];
	v11 =	vmul.f32 v14, v30;
	v14 =	vmax.f32 v20, $0.0e+00;
	v25 =	vmin.f32 v10, $1.270000000e+02  }
0x54: {  	v17 =	vld [tilespmem:s26+$0x140];
	v30 =	vmax.f32 v12, $0.0e+00;
	v63 =	vmax.f32 v18, $0.0e+00;
	v25 =	vtrunc.f32 v25  }
0x55: {  	v10 =	vld [tilespmem:s26+$0x160];
	v14 =	vmin.f32 v14, $1.270000000e+02;
	v30 =	vmin.f32 v30, $1.270000000e+02;
	v42 =	vcvt.f32.s32 v25  }
0x56: {  	v31 =	vld.idx.msk [tilespmem:v31+s5+$0x0], $0xffff;
	v21 =	vmin.f32 v63, $1.270000000e+02;
	v14 =	vtrunc.f32 v14;
	v46 =	vtrunc.f32 v30  }
0x57: {  	v28 =	vld.idx.msk [tilespmem:v32+s16+$0x0], $0xffff;
	v48 =	vtrunc.f32 v21;
	v21 =	vsub.f32 v15, v34;
	v26 =	vmax.f32 v16, $0.0e+00  }
0x58: {  	v32 =	vld.idx.msk [tilespmem:v32+s5+$0x0], $0xffff;
	v15 =	vcvt.f32.s32 v46;
	v27 =	vmin.f32 v26, $1.270000000e+02;
	v26 =	vmax.f32 v13, $0.0e+00  }
0x59: {  	v25 =	vmin.f32 v26, $1.270000000e+02;
	v26 =	vld.idx.msk [tilespmem:v33+s16+$0x0], $0xffff;
	v43 =	vtrunc.f32 v27;
	v37 =	vmax.f32 v17, $0.0e+00  }
0x5a: {  	v30 =	vmax.f32 v10, $0.0e+00;
	v44 =	vtrunc.f32 v25;
	v25 =	vmin.f32 v37, $1.270000000e+02;
	v37 =	vld.idx.msk [tilespmem:v22+s5+$0x0], $0xffff  }
0x5b: {  	v22 =	vmin.f32 v30, $1.270000000e+02;
	v30 =	vld.idx.msk [tilespmem:v24+s5+$0x0], $0xffff;
	v47 =	vtrunc.f32 v25;
	v25 =	vcvt.f32.s32 v14  }
0x5c: {  	v23 =	vsub.f32 v23, v36;
	v36 =	vcvt.f32.s32 v48;
	v24 =	vcvt.f32.s32 v43;
	v38 =	vld.idx.msk [tilespmem:v42+s16+$0x0], $0xffff  }
0x5d: {  	v19 =	vsub.f32 v19, v35;
	v49 =	vtrunc.f32 v22;
	v34 =	vld.idx.msk [tilespmem:v42+s5+$0x0], $0xffff;
	v42 =	vcvt.s32.f32 v42  }
0x5e: {  	v39 =	vadd.f32 v39, v45;
	v27 =	vld.idx.msk [tilespmem:v8+s16+$0x0], $0xffff;
	v22 =	vcvt.f32.s32 v44;
	v14 =	vcvt.f32.s32 v47  }
0x5f: {  	s29 =	simm.s32 $0x8;
	s24 =	sshll.u32 s23, $0xF;
	[tilespmem:s25+$0x8170] =	vst v40;
	v33 =	vld.idx.msk [tilespmem:v33+s5+$0x0], $0xffff;
	v35 =	vcvt.f32.s32 v49;
	v40 =	vcvt.s32.f32 v25;
	v41 =	vsub.f32 v41, v42  }
.LBB2_3:
0x60: {  	s29 =	sadd.s32 $0x8, s29;
	v42 =	vcvt.s32.f32 v24;
	v43 =	vcvt.s32.f32 v22;
	[tilespmem:s25+$0x8100] =	vst v39;
	v29 =	vadd.f32 v29, v37;
	v37 =	vld.idx.msk [tilespmem:v8+s5+$0x0], $0xffff;
	v44 =	vmovc v36  }
0x61: {  	s28 =	sadd.s32 $0x400, s28;
	s30 =	sshll.u32 s29, $0x4;
	p1 =	slt.u32 s29, $0x3F8;
	v36 =	vld.idx.msk [tilespmem:v25+s16+$0x0], $0xffff;
	v39 =	vsub.f32 v20, v40;
	v20 =	vcvt.s32.f32 v15;
	v38 =	vmul.f32 v41, v38;
	v8 =	vmovc v35  }
0x62: {  	s31 =	sand.u32 $0xC00, s28;
	s2 =	sshll.u32 s29, $0x2;
	v41 =	vcvt.s32.f32 v44;
	s30 =	sand.u32 $0x3000, s30;
	v35 =	vld.idx.msk [tilespmem:v24+s16+$0x0], $0xffff;
	v40 =	vsub.f32 v16, v42;
	v16 =	vcvt.s32.f32 v14;
	[tilespmem:s25+$0x8110] =	vst v29  }
0x63: {  	s2 =	sand.u32 $0x380, s2;
	v43 =	vsub.f32 v13, v43;
	v13 =	vcvt.s32.f32 v8;
	s30 =	sor.u32 s31, s30;
	v42 =	vld.idx.msk [tilespmem:v22+s16+$0x0], $0xffff;
	v29 =	vadd.f32 v38, v34  }
0x64: {  	v38 =	vsub.f32 v12, v20;
	v12 =	vmul.f32 v21, v28;
	s2 =	sor.u32 s2, s30;
	v34 =	vld.idx.msk [tilespmem:v15+s16+$0x0], $0xffff;
	v21 =	vsub.f32 v17, v16  }
0x65: {  	v10 =	vsub.f32 v10, v13;
	v13 =	vmul.f32 v19, v26;
	v19 =	vsub.f32 v18, v41;
	v45 =	vld [tilespmem:s2+$0x170];
	[tilespmem:s26+$0x8170] =	vst v29  }
0x66: {  	v9 =	vadd.f32 v9, v30;
	v11 =	vadd.f32 v11, v31;
	v17 =	vmul.f32 v23, v27;
	v20 =	vld [tilespmem:s2+$0x100]  }
0x67: {  	v18 =	vadd.f32 v12, v32;
	v39 =	vmul.f32 v39, v36;
	v26 =	vadd.f32 v13, v33;
	v23 =	vmovc v10;
	v16 =	vld [tilespmem:s2+$0x110]  }
0x68: {  	v27 =	vadd.f32 v17, v37;
	v29 =	vmul.f32 v40, v35;
	v13 =	vld [tilespmem:s2+$0x120];
	[tilespmem:s25+$0x8120] =	vst v9  }
0x69: {  	v9 =	vmul.f32 v43, v42;
	v12 =	vld [tilespmem:s2+$0x130];
	[tilespmem:s25+$0x8130] =	vst v11  }
0x6a: {  	v11 =	vmul.f32 v38, v34;
	v17 =	vld [tilespmem:s2+$0x140];
	v10 =	vmax.f32 v45, $0.0e+00;
	[tilespmem:s25+$0x8140] =	vst v18  }
0x6b: {  	v28 =	vmax.f32 v20, $0.0e+00;
	v18 =	vld [tilespmem:s2+$0x150];
	v30 =	vmin.f32 v10, $1.270000000e+02;
	[tilespmem:s25+$0x8150] =	vst v26  }
0x6c: {  	v26 =	vmin.f32 v28, $1.270000000e+02;
	v28 =	vmax.f32 v16, $0.0e+00;
	v10 =	vld [tilespmem:s2+$0x160];
	v30 =	vtrunc.f32 v30;
	[tilespmem:s25+$0x8160] =	vst v27;
	s25 =	smov.u32 s26;
	s26 =	smov.u32 s2  }
0x6d: {  	v27 =	vmin.f32 v28, $1.270000000e+02;
	v31 =	vmax.f32 v13, $0.0e+00;
	v32 =	vcvt.f32.s32 v30;
	v28 =	vld.idx.msk [tilespmem:v14+s16+$0x0], $0xffff  }
0x6e: {  	v33 =	vtrunc.f32 v26;
	v30 =	vmin.f32 v31, $1.270000000e+02;
	v31 =	vmax.f32 v12, $0.0e+00;
	v26 =	vld.idx.msk [tilespmem:v44+s16+$0x0], $0xffff  }
0x6f: {  	v34 =	vtrunc.f32 v27;
	v31 =	vmin.f32 v31, $1.270000000e+02;
	v35 =	vmax.f32 v17, $0.0e+00;
	v27 =	vld.idx.msk [tilespmem:v8+s16+$0x0], $0xffff  }
0x70: {  	v36 =	vtrunc.f32 v30;
	v30 =	vmin.f32 v35, $1.270000000e+02;
	v35 =	vmax.f32 v18, $0.0e+00;
	v40 =	vld.idx.msk [tilespmem:v25+s5+$0x0], $0xffff  }
0x71: {  	v41 =	vtrunc.f32 v31;
	v25 =	vmin.f32 v35, $1.270000000e+02;
	v31 =	vmax.f32 v10, $0.0e+00;
	v37 =	vld.idx.msk [tilespmem:v24+s5+$0x0], $0xffff  }
0x72: {  	v35 =	vtrunc.f32 v30;
	v42 =	vtrunc.f32 v25;
	v24 =	vmin.f32 v31, $1.270000000e+02;
	v30 =	vld.idx.msk [tilespmem:v22+s5+$0x0], $0xffff  }
.Ltmp2:
0x73: {  	v25 =	vcvt.f32.s32 v33;
	v33 =	vtrunc.f32 v24;
	v38 =	vld.idx.msk [tilespmem:v32+s16+$0x0], $0xffff;
	(pc) =	sbr.rel @p1 .LBB2_3-.Ltmp2, $4  }
0x74: {  	v22 =	vcvt.f32.s32 v36;
	v24 =	vcvt.f32.s32 v34;
	v31 =	vld.idx.msk [tilespmem:v15+s5+$0x0], $0xffff  }
0x75: {  	v15 =	vcvt.f32.s32 v41;
	v41 =	vcvt.s32.f32 v32;
	v34 =	vld.idx.msk [tilespmem:v32+s5+$0x0], $0xffff  }
0x76: {  	v36 =	vcvt.f32.s32 v42;
	v39 =	vadd.f32 v39, v40;
	v32 =	vld.idx.msk [tilespmem:v14+s5+$0x0], $0xffff;
	v14 =	vcvt.f32.s32 v35  }
0x77: {  	v40 =	vcvt.s32.f32 v25;
	v35 =	vcvt.f32.s32 v33;
	v41 =	vsub.f32 v45, v41;
	v33 =	vld.idx.msk [tilespmem:v44+s5+$0x0], $0xffff  }
0x78: {  	_ =	sdelay $0x3  }
0x79: {  	v8 =	vld.idx.msk [tilespmem:v8+s5+$0x0], $0xffff  }
0x7a: {  	v42 =	vld.idx.msk [tilespmem:v25+s16+$0x0], $0xffff  }
0x7b: {  	v43 =	vld.idx.msk [tilespmem:v24+s16+$0x0], $0xffff  }
0x7c: {  	v46 =	vld.idx.msk [tilespmem:v22+s16+$0x0], $0xffff  }
0x7d: {  	v60 =	vld.idx.msk [tilespmem:v15+s16+$0x0], $0xffff  }
0x7e: {  	v63 =	vld.idx.msk [tilespmem:v14+s16+$0x0], $0xffff  }
0x7f: {  	v49 =	vld.idx.msk [tilespmem:v36+s16+$0x0], $0xffff  }
0x80: {  	v44 =	vcvt.s32.f32 v24;
	v45 =	vcvt.s32.f32 v22;
	v29 =	vadd.f32 v29, v37;
	[tilespmem:s25+$0x8100] =	vst v39;
	v51 =	vld.idx.msk [tilespmem:v25+s5+$0x0], $0xffff  }
0x81: {  	v21 =	vmul.f32 v21, v28;
	v9 =	vadd.f32 v9, v30;
	v19 =	vmul.f32 v19, v26;
	v52 =	vld.idx.msk [tilespmem:v24+s5+$0x0], $0xffff  }
0x82: {  	v23 =	vmul.f32 v23, v27;
	v53 =	vld.idx.msk [tilespmem:v22+s5+$0x0], $0xffff;
	v20 =	vsub.f32 v20, v40;
	v59 =	vmul.f32 v41, v38  }
0x83: {  	v61 =	vcvt.s32.f32 v15;
	v54 =	vld.idx.msk [tilespmem:v15+s5+$0x0], $0xffff;
	v11 =	vadd.f32 v11, v31;
	v16 =	vsub.f32 v16, v44;
	[tilespmem:s25+$0x8110] =	vst v29  }
0x84: {  	v62 =	vcvt.s32.f32 v14;
	v56 =	vld.idx.msk [tilespmem:v14+s5+$0x0], $0xffff;
	v13 =	vsub.f32 v13, v45;
	[tilespmem:s25+$0x8120] =	vst v9;
	v34 =	vadd.f32 v59, v34  }
0x85: {  	v50 =	vld.idx.msk [tilespmem:v35+s16+$0x0], $0xffff;
	v57 =	vcvt.s32.f32 v35;
	v12 =	vsub.f32 v12, v61;
	v21 =	vadd.f32 v21, v32;
	[tilespmem:s25+$0x8130] =	vst v11  }
0x86: {  	v17 =	vsub.f32 v17, v62;
	v19 =	vadd.f32 v19, v33;
	[tilespmem:s26+$0x8170] =	vst v34;
	v20 =	vmul.f32 v20, v42  }
0x87: {  	v55 =	vmul.f32 v16, v43;
	v8 =	vadd.f32 v23, v8;
	[tilespmem:s25+$0x8140] =	vst v21;
	v13 =	vmul.f32 v13, v46  }
0x88: {  	v48 =	vcvt.s32.f32 v36;
	v12 =	vmul.f32 v12, v60;
	v60 =	vld.idx.msk [tilespmem:v35+s5+$0x0], $0xffff;
	[tilespmem:s25+$0x8150] =	vst v19;
	v58 =	vadd.f32 v20, v51  }
0x89: {  	v59 =	vld.idx.msk [tilespmem:v36+s5+$0x0], $0xffff;
	v10 =	vsub.f32 v10, v57;
	[tilespmem:s25+$0x8160] =	vst v8;
	v8 =	vadd.f32 v55, v52  }
0x8a: {  	v18 =	vsub.f32 v18, v48;
	v61 =	vmul.f32 v17, v63;
	v9 =	vadd.f32 v13, v53;
	[tilespmem:s26+$0x8100] =	vst v58  }
0x8b: {  	v10 =	vmul.f32 v10, v50;
	v11 =	vadd.f32 v12, v54;
	[tilespmem:s26+$0x8110] =	vst v8  }
0x8c: {  	p1 =	sne.s32 s23, $0x1F;
	v62 =	vadd.f32 v61, v56;
	v8 =	vmul.f32 v18, v49;
	[tilespmem:s26+$0x8120] =	vst v9  }
.Ltmp3:
0x8d: {  	[tilespmem:s26+$0x8130] =	vst v11;
	v63 =	vadd.f32 v10, v60;
	(pc) =	sbr.rel @p1 .LBB2_6-.Ltmp3, $4  }
0x8e: {  	s2 =	sor.u32 s6, s24;
	[tilespmem:s26+$0x8140] =	vst v62;
	v8 =	vadd.f32 v8, v59  }
0x8f: {  	s25 =	sshrl.u32 s2, $0x3;
	[tilespmem:s26+$0x8160] =	vst v63  }
0x90: {  	s2 =	sadd.s32 s4, s25;
	[tilespmem:s26+$0x8150] =	vst v8  }
0x91: {  	[hbm4b:s2+s5] =	stream.linear.scatter [tilespmem:s17], [sflag:$0x3], $0x4000, $0x38;
	[tilespmem:$0x10100] =	vst v63  }
.Ltmp4:
0x92: {  	(pc) =	sbr.rel .LBB2_7-.Ltmp4, $4  }
0x93: {  	_ = 	snop  }
0x94: {  	_ =	swait.ge [sflag:s18], $0x4000  }
0x95: {  	[sflag:s18] =	ssyncset.done $0x0  }
0x96: {  	[sflag:s18] =	ssyncadd.s32 $0xFFFFC000  }
.LBB2_6:
0x97: {  	s2 =	sadd.s32 s24, s9  }
0x98: {  	s2 =	sshrl.u32 s2, $0x3  }
.Ltmp5:
0x99: {  	s2 =	sadd.s32 s1, s2;
	(pc) =	sbr.rel @p0 .LBB2_8-.Ltmp5, $4  }
0x9a: {  	[tilespmem:s13], [sflag:$0x1] =	stream.linear.gather [hbm4b:s2+s5], $0x4000, $0x38;
	[tilespmem:$0x10100] =	vst v63  }
0x9b: {  	_ =	swait.ge [sflag:s18], $0x4000  }
0x9c: {  	[sflag:s18] =	ssyncset.done $0x0  }
0x9d: {  	[sflag:s18] =	ssyncadd.s32 $0xFFFFC000  }
.LBB2_7:
0x9e: {  	_ =	swait.ge [sflag:s19], $0x4000  }
0x9f: {  	[sflag:s19] =	ssyncset.done $0x0  }
0xa0: {  	[sflag:s19] =	ssyncadd.s32 $0xFFFFC000  }
.LBB2_8:
0xa1: {  	s2 =	simm.s32 $0x0;
	s26 =	simm.s32 $0x0  }
0xa2: {  	s28 =	simm.s32 $0x0;
	s26 =	sand.u32 $0x3000, s26;
	s2 =	sand.u32 $0xC00, s2  }
0xa3: {  	s0 =	sand.u32 $0x380, s28;
	s2 =	sor.u32 s2, s26  }
0xa4: {  	s26 =	sor.u32 s0, s2  }
0xa5: {  	v9 =	vld [tilespmem:s26+$0x4170]  }
0xa6: {  	v10 =	vld [tilespmem:s26+$0x4100]  }
0xa7: {  	v11 =	vld [tilespmem:s26+$0x4110]  }
0xa8: {  	v12 =	vld [tilespmem:s26+$0x4120];
	_ =	sdelay $0x2  }
0xa9: {  	v14 =	vld [tilespmem:s26+$0x4130];
	v8 =	vmax.f32 v9, $0.0e+00  }
0xaa: {  	v13 =	vmax.f32 v10, $0.0e+00;
	v8 =	vmin.f32 v8, $1.270000000e+02  }
0xab: {  	v16 =	vmax.f32 v11, $0.0e+00;
	v17 =	vmax.f32 v12, $0.0e+00;
	v8 =	vtrunc.f32 v8  }
0xac: {  	s31 =	simm.s32 $0x80;
	s29 =	simm.s32 $0x400;
	v19 =	vld [tilespmem:s26+$0x4150];
	v13 =	vmin.f32 v13, $1.270000000e+02;
	v16 =	vmin.f32 v16, $1.270000000e+02;
	v8 =	vcvt.f32.s32 v8  }
0xad: {  	s30 =	simm.s32 $0x20;
	s28 =	sand.u32 $0xC00, s29;
	s2 =	sand.u32 $0x3000, s31;
	v23 =	vld [tilespmem:s26+$0x4160];
	v17 =	vmin.f32 v17, $1.270000000e+02;
	v13 =	vtrunc.f32 v13;
	v16 =	vtrunc.f32 v16  }
0xae: {  	v15 =	vld [tilespmem:s26+$0x4140];
	s2 =	sor.u32 s28, s2;
	s28 =	sand.u32 $0x380, s30;
	v18 =	vmax.f32 v14, $0.0e+00;
	v17 =	vtrunc.f32 v17;
	v21 =	vcvt.f32.s32 v13  }
0xaf: {  	s28 =	sor.u32 s28, s2;
	v13 =	vmin.f32 v18, $1.270000000e+02;
	v22 =	vcvt.f32.s32 v16;
	v20 =	vcvt.s32.f32 v8  }
0xb0: {  	v41 =	vld [tilespmem:s28+$0x4170];
	v24 =	vcvt.f32.s32 v17;
	v13 =	vtrunc.f32 v13  }
0xb1: {  	v17 =	vmax.f32 v19, $0.0e+00;
	v31 =	vcvt.f32.s32 v13;
	v9 =	vsub.f32 v9, v20;
	v20 =	vld [tilespmem:s28+$0x4100]  }
0xb2: {  	v18 =	vmax.f32 v23, $0.0e+00;
	v17 =	vmin.f32 v17, $1.270000000e+02;
	v16 =	vld.idx.msk [tilespmem:v8+s16+$0x0], $0xffff  }
0xb3: {  	v18 =	vmin.f32 v18, $1.270000000e+02;
	v13 =	vmax.f32 v15, $0.0e+00;
	v17 =	vtrunc.f32 v17;
	v25 =	vld.idx.msk [tilespmem:v8+s5+$0x0], $0xffff  }
0xb4: {  	v18 =	vtrunc.f32 v18;
	v13 =	vmin.f32 v13, $1.270000000e+02;
	v33 =	vcvt.f32.s32 v17;
	v26 =	vld.idx.msk [tilespmem:v21+s16+$0x0], $0xffff  }
0xb5: {  	v17 =	vcvt.s32.f32 v22;
	v13 =	vtrunc.f32 v13;
	v27 =	vld.idx.msk [tilespmem:v22+s16+$0x0], $0xffff  }
0xb6: {  	v28 =	vld.idx.msk [tilespmem:v24+s16+$0x0], $0xffff;
	v8 =	vcvt.f32.s32 v18;
	v18 =	vcvt.s32.f32 v24  }
0xb7: {  	v32 =	vcvt.f32.s32 v13;
	v13 =	vcvt.s32.f32 v21;
	v30 =	vld.idx.msk [tilespmem:v31+s16+$0x0], $0xffff  }
0xb8: {  	v29 =	vcvt.s32.f32 v31;
	v11 =	vsub.f32 v11, v17;
	v17 =	vsub.f32 v12, v18;
	v12 =	vld [tilespmem:s28+$0x4130]  }
0xb9: {  	v35 =	vcvt.s32.f32 v33;
	v10 =	vsub.f32 v10, v13;
	v34 =	vcvt.s32.f32 v32;
	v18 =	vld [tilespmem:s28+$0x4150]  }
0xba: {  	v36 =	vcvt.s32.f32 v8;
	v9 =	vmul.f32 v9, v16  }
0xbb: {  	v14 =	vsub.f32 v14, v29;
	v45 =	vld.idx.msk [tilespmem:v21+s5+$0x0], $0xffff;
	v39 =	vmul.f32 v10, v26;
	v29 =	vmul.f32 v11, v27  }
0xbc: {  	v16 =	vld [tilespmem:s28+$0x4110];
	v10 =	vmax.f32 v41, $0.0e+00;
	v40 =	vadd.f32 v9, v25;
	v9 =	vmul.f32 v17, v28  }
0xbd: {  	v13 =	vld [tilespmem:s28+$0x4120];
	v11 =	vmul.f32 v14, v30;
	v14 =	vmax.f32 v20, $0.0e+00;
	v25 =	vmin.f32 v10, $1.270000000e+02  }
0xbe: {  	v17 =	vld [tilespmem:s28+$0x4140];
	v30 =	vmax.f32 v12, $0.0e+00;
	v62 =	vmax.f32 v18, $0.0e+00;
	v25 =	vtrunc.f32 v25  }
0xbf: {  	v10 =	vld [tilespmem:s28+$0x4160];
	v14 =	vmin.f32 v14, $1.270000000e+02;
	v30 =	vmin.f32 v30, $1.270000000e+02;
	v42 =	vcvt.f32.s32 v25  }
0xc0: {  	v31 =	vld.idx.msk [tilespmem:v31+s5+$0x0], $0xffff;
	v21 =	vmin.f32 v62, $1.270000000e+02;
	v14 =	vtrunc.f32 v14;
	v46 =	vtrunc.f32 v30  }
0xc1: {  	v28 =	vld.idx.msk [tilespmem:v32+s16+$0x0], $0xffff;
	v48 =	vtrunc.f32 v21;
	v21 =	vsub.f32 v15, v34;
	v26 =	vmax.f32 v16, $0.0e+00  }
0xc2: {  	v32 =	vld.idx.msk [tilespmem:v32+s5+$0x0], $0xffff;
	v15 =	vcvt.f32.s32 v46;
	v27 =	vmin.f32 v26, $1.270000000e+02;
	v26 =	vmax.f32 v13, $0.0e+00  }
0xc3: {  	v25 =	vmin.f32 v26, $1.270000000e+02;
	v26 =	vld.idx.msk [tilespmem:v33+s16+$0x0], $0xffff;
	v43 =	vtrunc.f32 v27;
	v37 =	vmax.f32 v17, $0.0e+00  }
0xc4: {  	v30 =	vmax.f32 v10, $0.0e+00;
	v44 =	vtrunc.f32 v25;
	v25 =	vmin.f32 v37, $1.270000000e+02;
	v37 =	vld.idx.msk [tilespmem:v22+s5+$0x0], $0xffff  }
0xc5: {  	v22 =	vmin.f32 v30, $1.270000000e+02;
	v30 =	vld.idx.msk [tilespmem:v24+s5+$0x0], $0xffff;
	v47 =	vtrunc.f32 v25;
	v25 =	vcvt.f32.s32 v14  }
0xc6: {  	v23 =	vsub.f32 v23, v36;
	v36 =	vcvt.f32.s32 v48;
	v24 =	vcvt.f32.s32 v43;
	v38 =	vld.idx.msk [tilespmem:v42+s16+$0x0], $0xffff  }
0xc7: {  	v19 =	vsub.f32 v19, v35;
	v63 =	vtrunc.f32 v22;
	v35 =	vld.idx.msk [tilespmem:v42+s5+$0x0], $0xffff;
	v42 =	vcvt.s32.f32 v42  }
0xc8: {  	v39 =	vadd.f32 v39, v45;
	v27 =	vld.idx.msk [tilespmem:v8+s16+$0x0], $0xffff;
	v22 =	vcvt.f32.s32 v44;
	v14 =	vcvt.f32.s32 v47  }
0xc9: {  	s30 =	simm.s32 $0x8;
	[tilespmem:s26+$0xC170] =	vst v40;
	v33 =	vld.idx.msk [tilespmem:v33+s5+$0x0], $0xffff;
	v34 =	vcvt.f32.s32 v63;
	v40 =	vcvt.s32.f32 v25;
	v41 =	vsub.f32 v41, v42  }
.LBB2_9:
0xca: {  	s30 =	sadd.s32 $0x8, s30;
	v42 =	vcvt.s32.f32 v24;
	v43 =	vcvt.s32.f32 v22;
	[tilespmem:s26+$0xC100] =	vst v39;
	v29 =	vadd.f32 v29, v37;
	v37 =	vld.idx.msk [tilespmem:v8+s5+$0x0], $0xffff;
	v44 =	vmovc v36  }
0xcb: {  	s29 =	sadd.s32 $0x400, s29;
	s2 =	sshll.u32 s30, $0x4;
	p0 =	slt.u32 s30, $0x3F8;
	v36 =	vld.idx.msk [tilespmem:v25+s16+$0x0], $0xffff;
	v39 =	vsub.f32 v20, v40;
	v20 =	vcvt.s32.f32 v15;
	v38 =	vmul.f32 v41, v38;
	v8 =	vmovc v34  }
0xcc: {  	s31 =	sand.u32 $0xC00, s29;
	s0 =	sshll.u32 s30, $0x2;
	v41 =	vcvt.s32.f32 v44;
	s2 =	sand.u32 $0x3000, s2;
	v34 =	vld.idx.msk [tilespmem:v24+s16+$0x0], $0xffff;
	v40 =	vsub.f32 v16, v42;
	v16 =	vcvt.s32.f32 v14;
	[tilespmem:s26+$0xC110] =	vst v29  }
0xcd: {  	s0 =	sand.u32 $0x380, s0;
	v43 =	vsub.f32 v13, v43;
	v13 =	vcvt.s32.f32 v8;
	s2 =	sor.u32 s31, s2;
	v42 =	vld.idx.msk [tilespmem:v22+s16+$0x0], $0xffff;
	v29 =	vadd.f32 v38, v35  }
0xce: {  	v38 =	vsub.f32 v12, v20;
	v12 =	vmul.f32 v21, v28;
	s0 =	sor.u32 s0, s2;
	v35 =	vld.idx.msk [tilespmem:v15+s16+$0x0], $0xffff;
	v21 =	vsub.f32 v17, v16  }
0xcf: {  	v10 =	vsub.f32 v10, v13;
	v13 =	vmul.f32 v19, v26;
	v19 =	vsub.f32 v18, v41;
	v45 =	vld [tilespmem:s0+$0x4170];
	[tilespmem:s28+$0xC170] =	vst v29  }
0xd0: {  	v9 =	vadd.f32 v9, v30;
	v11 =	vadd.f32 v11, v31;
	v17 =	vmul.f32 v23, v27;
	v20 =	vld [tilespmem:s0+$0x4100]  }
0xd1: {  	v18 =	vadd.f32 v12, v32;
	v39 =	vmul.f32 v39, v36;
	v26 =	vadd.f32 v13, v33;
	v23 =	vmovc v10;
	v16 =	vld [tilespmem:s0+$0x4110]  }
0xd2: {  	v27 =	vadd.f32 v17, v37;
	v29 =	vmul.f32 v40, v34;
	v13 =	vld [tilespmem:s0+$0x4120];
	[tilespmem:s26+$0xC120] =	vst v9  }
0xd3: {  	v9 =	vmul.f32 v43, v42;
	v12 =	vld [tilespmem:s0+$0x4130];
	[tilespmem:s26+$0xC130] =	vst v11  }
0xd4: {  	v11 =	vmul.f32 v38, v35;
	v17 =	vld [tilespmem:s0+$0x4140];
	v10 =	vmax.f32 v45, $0.0e+00;
	[tilespmem:s26+$0xC140] =	vst v18  }
0xd5: {  	v28 =	vmax.f32 v20, $0.0e+00;
	v18 =	vld [tilespmem:s0+$0x4150];
	v30 =	vmin.f32 v10, $1.270000000e+02;
	[tilespmem:s26+$0xC150] =	vst v26  }
0xd6: {  	v26 =	vmin.f32 v28, $1.270000000e+02;
	v28 =	vmax.f32 v16, $0.0e+00;
	v10 =	vld [tilespmem:s0+$0x4160];
	v30 =	vtrunc.f32 v30;
	[tilespmem:s26+$0xC160] =	vst v27;
	s26 =	smov.u32 s28;
	s28 =	smov.u32 s0  }
0xd7: {  	v27 =	vmin.f32 v28, $1.270000000e+02;
	v31 =	vmax.f32 v13, $0.0e+00;
	v32 =	vcvt.f32.s32 v30;
	v28 =	vld.idx.msk [tilespmem:v14+s16+$0x0], $0xffff  }
0xd8: {  	v33 =	vtrunc.f32 v26;
	v30 =	vmin.f32 v31, $1.270000000e+02;
	v31 =	vmax.f32 v12, $0.0e+00;
	v26 =	vld.idx.msk [tilespmem:v44+s16+$0x0], $0xffff  }
0xd9: {  	v34 =	vtrunc.f32 v27;
	v31 =	vmin.f32 v31, $1.270000000e+02;
	v35 =	vmax.f32 v17, $0.0e+00;
	v27 =	vld.idx.msk [tilespmem:v8+s16+$0x0], $0xffff  }
0xda: {  	v36 =	vtrunc.f32 v30;
	v30 =	vmin.f32 v35, $1.270000000e+02;
	v35 =	vmax.f32 v18, $0.0e+00;
	v40 =	vld.idx.msk [tilespmem:v25+s5+$0x0], $0xffff  }
0xdb: {  	v41 =	vtrunc.f32 v31;
	v25 =	vmin.f32 v35, $1.270000000e+02;
	v31 =	vmax.f32 v10, $0.0e+00;
	v37 =	vld.idx.msk [tilespmem:v24+s5+$0x0], $0xffff  }
0xdc: {  	v42 =	vtrunc.f32 v30;
	v43 =	vtrunc.f32 v25;
	v24 =	vmin.f32 v31, $1.270000000e+02;
	v30 =	vld.idx.msk [tilespmem:v22+s5+$0x0], $0xffff  }
.Ltmp6:
0xdd: {  	v25 =	vcvt.f32.s32 v33;
	v33 =	vtrunc.f32 v24;
	v38 =	vld.idx.msk [tilespmem:v32+s16+$0x0], $0xffff;
	(pc) =	sbr.rel @p0 .LBB2_9-.Ltmp6, $4  }
0xde: {  	v22 =	vcvt.f32.s32 v36;
	v24 =	vcvt.f32.s32 v34;
	v31 =	vld.idx.msk [tilespmem:v15+s5+$0x0], $0xffff  }
0xdf: {  	v15 =	vcvt.f32.s32 v41;
	v41 =	vcvt.s32.f32 v32;
	v35 =	vld.idx.msk [tilespmem:v32+s5+$0x0], $0xffff  }
0xe0: {  	v36 =	vcvt.f32.s32 v43;
	v39 =	vadd.f32 v39, v40;
	v32 =	vld.idx.msk [tilespmem:v14+s5+$0x0], $0xffff;
	v14 =	vcvt.f32.s32 v42  }
0xe1: {  	v34 =	vcvt.f32.s32 v33;
	v40 =	vcvt.s32.f32 v25;
	v41 =	vsub.f32 v45, v41;
	v33 =	vld.idx.msk [tilespmem:v44+s5+$0x0], $0xffff  }
0xe2: {  	_ =	sdelay $0x3  }
0xe3: {  	v8 =	vld.idx.msk [tilespmem:v8+s5+$0x0], $0xffff  }
0xe4: {  	v42 =	vld.idx.msk [tilespmem:v25+s16+$0x0], $0xffff  }
0xe5: {  	v43 =	vld.idx.msk [tilespmem:v24+s16+$0x0], $0xffff  }
0xe6: {  	v46 =	vld.idx.msk [tilespmem:v22+s16+$0x0], $0xffff  }
0xe7: {  	v60 =	vld.idx.msk [tilespmem:v15+s16+$0x0], $0xffff  }
0xe8: {  	v63 =	vld.idx.msk [tilespmem:v14+s16+$0x0], $0xffff  }
0xe9: {  	v49 =	vld.idx.msk [tilespmem:v36+s16+$0x0], $0xffff  }
0xea: {  	v44 =	vcvt.s32.f32 v24;
	v45 =	vcvt.s32.f32 v22;
	v29 =	vadd.f32 v29, v37;
	[tilespmem:s26+$0xC100] =	vst v39;
	v51 =	vld.idx.msk [tilespmem:v25+s5+$0x0], $0xffff  }
0xeb: {  	v21 =	vmul.f32 v21, v28;
	v9 =	vadd.f32 v9, v30;
	v19 =	vmul.f32 v19, v26;
	v52 =	vld.idx.msk [tilespmem:v24+s5+$0x0], $0xffff  }
0xec: {  	v23 =	vmul.f32 v23, v27;
	v53 =	vld.idx.msk [tilespmem:v22+s5+$0x0], $0xffff;
	v20 =	vsub.f32 v20, v40;
	v59 =	vmul.f32 v41, v38  }
0xed: {  	v61 =	vcvt.s32.f32 v15;
	v54 =	vld.idx.msk [tilespmem:v15+s5+$0x0], $0xffff;
	v11 =	vadd.f32 v11, v31;
	v16 =	vsub.f32 v16, v44;
	[tilespmem:s26+$0xC110] =	vst v29  }
0xee: {  	v62 =	vcvt.s32.f32 v14;
	v56 =	vld.idx.msk [tilespmem:v14+s5+$0x0], $0xffff;
	v13 =	vsub.f32 v13, v45;
	[tilespmem:s26+$0xC120] =	vst v9;
	v35 =	vadd.f32 v59, v35  }
0xef: {  	v50 =	vld.idx.msk [tilespmem:v34+s16+$0x0], $0xffff;
	v57 =	vcvt.s32.f32 v34;
	v12 =	vsub.f32 v12, v61;
	v21 =	vadd.f32 v21, v32;
	[tilespmem:s26+$0xC130] =	vst v11  }
0xf0: {  	v17 =	vsub.f32 v17, v62;
	v19 =	vadd.f32 v19, v33;
	[tilespmem:s28+$0xC170] =	vst v35;
	v20 =	vmul.f32 v20, v42  }
0xf1: {  	v55 =	vmul.f32 v16, v43;
	v8 =	vadd.f32 v23, v8;
	[tilespmem:s26+$0xC140] =	vst v21;
	v13 =	vmul.f32 v13, v46  }
0xf2: {  	v48 =	vcvt.s32.f32 v36;
	v12 =	vmul.f32 v12, v60;
	v60 =	vld.idx.msk [tilespmem:v34+s5+$0x0], $0xffff;
	[tilespmem:s26+$0xC150] =	vst v19;
	v58 =	vadd.f32 v20, v51  }
0xf3: {  	v59 =	vld.idx.msk [tilespmem:v36+s5+$0x0], $0xffff;
	v10 =	vsub.f32 v10, v57;
	[tilespmem:s26+$0xC160] =	vst v8;
	v8 =	vadd.f32 v55, v52  }
0xf4: {  	v18 =	vsub.f32 v18, v48;
	v61 =	vmul.f32 v17, v63;
	v9 =	vadd.f32 v13, v53;
	[tilespmem:s28+$0xC100] =	vst v58  }
0xf5: {  	v10 =	vmul.f32 v10, v50;
	v11 =	vadd.f32 v12, v54;
	[tilespmem:s28+$0xC110] =	vst v8  }
0xf6: {  	p0 =	seq.s32 s23, $0x1F;
	v62 =	vadd.f32 v61, v56;
	v8 =	vmul.f32 v18, v49;
	[tilespmem:s28+$0xC120] =	vst v9  }
.Ltmp7:
0xf7: {  	[tilespmem:s28+$0xC130] =	vst v11;
	v63 =	vadd.f32 v10, v60;
	(pc) =	sbr.rel @p0 .LBB2_12-.Ltmp7, $4  }
0xf8: {  	[tilespmem:s28+$0xC140] =	vst v62;
	v8 =	vadd.f32 v8, v59  }
0xf9: {  	s0 =	sadd.s32 s25, s4;
	[tilespmem:s28+$0xC160] =	vst v63  }
0xfa: {  	s0 =	sadd.s32 $0x800, s0;
	[tilespmem:s28+$0xC150] =	vst v8  }
0xfb: {  	[hbm4b:s0+s5] =	stream.linear.scatter [tilespmem:s20], [sflag:$0x4], $0x4000, $0x38;
	[tilespmem:$0x10100] =	vst v63  }
.Ltmp8:
0xfc: {  	(pc) =	sbr.rel .LBB2_2-.Ltmp8, $4  }
0xfd: {  	s0 =	sadd.s32 s24, s10  }
0xfe: {  	s0 =	sshrl.u32 s0, $0x3  }
0xff: {  	s23 =	sadd.s32 $0x1, s23;
	s0 =	sadd.s32 s1, s0  }
0x100: {  	[tilespmem:s14], [sflag:$0x2] =	stream.linear.gather [hbm4b:s0+s5], $0x4000, $0x38;
	[tilespmem:$0x10100] =	vst v63  }
.LBB2_13:
0x101: {  	_ =	sfence.sel $0x180000  }
0x102: {  	[bflag:$0x0] =	sbarrier.arrive $0xFFFF  }
0x103: {  	_ =	strace $0x90000047  }
0x104: {  	s0 =	stileid.u32;
	[bflag:$0x2] =	sbarrier.arrive $0xFFFF  }
0x105: {  	p0 =	sne.s32 s0, $0x0;
	s0 =	rddreg [dreg:$0x3]  }
0x106: {  	s0 =	sadd.s32 @!p0 $0x100000, s0  }
0x107: {  	[sflag:s0] =	ssyncadd.tile.s32 @!p0 $0x1;
	_ =	shalt  }
.Lfunc_end2:
_tile_overlayer_lowered:
.L_overlay_start_2:
0x108: {  	(tag) =	ssettag $0x2  }
0x109: {  	s0 =	rddreg [dreg:$0x0];
	s2 =	stileid.u32  }
0x10a: {  	s1 =	rddreg [dreg:$0x1];
	p0 =	sne.s32 s2, $0x0  }
0x10b: {  	s3 =	rddreg [dreg:$0x2];
	[bflag:$0x3] =	sbarrier.arrive $0xFFFF;
	s2 =	simm.s32 @!p0 $0x1C05  }
0x10c: {  	[timem:s3], [sflag:s2] =	dma.local @!p0 [hbm:s0], s1  }
0x10d: {  	s0 =	simm.s32 @!p0 $0x5  }
0x10e: {  	_ =	swait.ge @!p0 [sflag:s0], s1  }
0x10f: {  	s1 =	ssub.s32 @!p0 $0x0, s1;
	[sflag:s0] =	ssyncset.done @!p0 $0x0  }
0x110: {  	[sflag:s0] =	ssyncadd.s32 @!p0 s1  }
0x111: {  	[bflag:$0x3] =	sbarrier.arrive $0xFFFF  }
0x112: {  	_ =	shalt  }

</sc_bundles>
